<compile_context>
chip_gen: v7x
topology: tpu7x:2x2x1
jax: 0.10.2.dev20260603
libtpu: 0.0.44.dev20260713+nightly
codegen_flags: <defaults>
</compile_context>

<pallas_src>
import jax
import jax.numpy as jnp
from jax import lax
from jax.experimental import pallas as pl
from jax.experimental.pallas import tpu as pltpu
from jax.experimental.pallas import tpu_sc as plsc

N = 10000
E = 320000
D = 128
DH = D // 2

NC = 2
NS = 16
NW = NC * NS
CHUNK = 128
NCHUNK = 80
EPW = NCHUNK * CHUNK
EPAD = NW * EPW
NPADE = EPAD - E
NPAD = N
RPT = 624
RREM = NPAD - NS * RPT


def _half_pass(h_hbm, zeros_hbm, out_hbm, c, s, sidx, didx, buf_a, buf_b,
               agg_sh, sem_a, sem_b):
    roff = pl.multiple_of(s * RPT, 8)
    pltpu.sync_copy(zeros_hbm.at[pl.ds(roff, RPT)],
                    agg_sh.at[pl.ds(roff, RPT)])

    @pl.when(s == NS - 1)
    def _():
        pltpu.sync_copy(zeros_hbm.at[pl.ds(NS * RPT, RREM)],
                        agg_sh.at[pl.ds(NS * RPT, RREM)])

    plsc.subcore_barrier()

    pltpu.async_copy(h_hbm.at[sidx.at[0]], buf_a, sem_a)

    def pair(i, carry):
        ja = 2 * i
        jb = 2 * i + 1
        pltpu.async_copy(h_hbm.at[sidx.at[jb]], buf_b, sem_b)
        pltpu.make_async_copy(h_hbm.at[sidx.at[ja]], buf_a, sem_a).wait()
        pltpu.sync_copy(buf_a, agg_sh.at[didx.at[ja]], add=True)

        @pl.when(jb + 1 < NCHUNK)
        def _():
            pltpu.async_copy(h_hbm.at[sidx.at[jb + 1]], buf_a, sem_a)

        pltpu.make_async_copy(h_hbm.at[sidx.at[jb]], buf_b, sem_b).wait()
        pltpu.sync_copy(buf_b, agg_sh.at[didx.at[jb]], add=True)
        return carry

    lax.fori_loop(0, NCHUNK // 2, pair, 0)
    plsc.subcore_barrier()

    pltpu.sync_copy(agg_sh.at[pl.ds(roff, RPT)],
                    out_hbm.at[c, pl.ds(roff, RPT)])

    @pl.when(s == NS - 1)
    def _():
        pltpu.sync_copy(agg_sh.at[pl.ds(NS * RPT, N - NS * RPT)],
                        out_hbm.at[c, pl.ds(NS * RPT, N - NS * RPT)])

    plsc.subcore_barrier()


def _sc_aggregate_body(h0_hbm, h1_hbm, src_hbm, dst_hbm, zeros_hbm, out_hbm,
                       sidx, didx, buf_a, buf_b, agg_sh, sem_a, sem_b):
    c = lax.axis_index("c")
    s = lax.axis_index("s")
    wid = s * NC + c

    pltpu.sync_copy(src_hbm.at[wid], sidx)
    pltpu.sync_copy(dst_hbm.at[wid], didx)

    _half_pass(h0_hbm, zeros_hbm, out_hbm.at[0], c, s, sidx, didx,
               buf_a, buf_b, agg_sh, sem_a, sem_b)
    _half_pass(h1_hbm, zeros_hbm, out_hbm.at[1], c, s, sidx, didx,
               buf_a, buf_b, agg_sh, sem_a, sem_b)


@jax.jit
def _sc_aggregate(h0, h1, src3, dst3, zeros):
    mesh = plsc.VectorSubcoreMesh(core_axis_name="c", subcore_axis_name="s")
    return pl.kernel(
        _sc_aggregate_body,
        out_type=jax.ShapeDtypeStruct((2, NC, N, DH), jnp.float32),
        mesh=mesh,
        compiler_params=pltpu.CompilerParams(use_tc_tiling_on_sc=False),
        scratch_types=[
            pltpu.VMEM((NCHUNK, CHUNK), jnp.int32),
            pltpu.VMEM((NCHUNK, CHUNK), jnp.int32),
            pltpu.VMEM((CHUNK, DH), jnp.float32),
            pltpu.VMEM((CHUNK, DH), jnp.float32),
            pltpu.VMEM_SHARED((NPAD, DH), jnp.float32),
            pltpu.SemaphoreType.DMA,
            pltpu.SemaphoreType.DMA,
        ],
    )(h0, h1, src3, dst3, zeros)


ROWS_BLK = 400


def _tc_layer_body(h_ref, agg_ref, w_ref, b_ref, o_ref):
    agg = jnp.concatenate(
        [agg_ref[0, 0] + agg_ref[0, 1], agg_ref[1, 0] + agg_ref[1, 1]],
        axis=1)
    row = (pl.program_id(0) * ROWS_BLK
           + jax.lax.broadcasted_iota(jnp.int32, (ROWS_BLK, 1), 0))
    hs = jnp.where(row < NPADE, agg, h_ref[...] + agg)
    acc = jnp.dot(hs, w_ref[...], preferred_element_type=jnp.float32)
    o_ref[...] = acc + b_ref[...]


@jax.jit
def _tc_layer(h, agg, w_t, b_row):
    grid = (N // ROWS_BLK,)
    return pl.pallas_call(
        _tc_layer_body,
        grid=grid,
        in_specs=[
            pl.BlockSpec((ROWS_BLK, D), lambda i: (i, 0)),
            pl.BlockSpec((2, NC, ROWS_BLK, DH), lambda i: (0, 0, i, 0)),
            pl.BlockSpec((D, D), lambda i: (0, 0)),
            pl.BlockSpec((1, D), lambda i: (0, 0)),
        ],
        out_specs=pl.BlockSpec((ROWS_BLK, D), lambda i: (i, 0)),
        out_shape=jax.ShapeDtypeStruct((N, D), jnp.float32),
    )(h, agg, w_t, b_row)


def kernel(x, edge_index, W1, b1):
    src = edge_index[0].astype(jnp.int32)
    dst = edge_index[1].astype(jnp.int32)
    pad_idx = jnp.arange(NPADE, dtype=jnp.int32)
    src3 = jnp.concatenate([src, pad_idx]).reshape(NW, NCHUNK, CHUNK)
    dst3 = jnp.concatenate([dst, pad_idx]).reshape(NW, NCHUNK, CHUNK)
    w_t = W1.T
    b_row = b1.reshape(1, D)
    zeros = jnp.zeros((NPAD, DH), jnp.float32)

    x0, x1 = x[:, :DH], x[:, DH:]
    agg1 = _sc_aggregate(x0, x1, src3, dst3, zeros)
    hid = _tc_layer(x, agg1, w_t, b_row)
    h0, h1 = hid[:, :DH], hid[:, DH:]
    agg2 = _sc_aggregate(h0, h1, src3, dst3, zeros)
    out = _tc_layer(hid, agg2, w_t, b_row)
    return (out, hid)

# --- scband reference (transcript-rebuilt; emitter-appended) ---
"""Pipeline reference for scband-sgc-31233002176551 (READ-ONLY COPY).

The authoritative reference and input builder live on the scoring server;
editing this copy changes nothing except your own understanding.
"""

import jax, jax.numpy as jnp
import numpy as np

N = 10000
E = 320000
D = 128

def setup_inputs(seed: int = 0) -> dict:
    key = jax.random.key(seed)
    k1, k2, k3, k4 = jax.random.split(key, 4)
    x = jax.random.normal(k1, (N, D), dtype=jnp.float32)
    edge_index = jax.random.randint(k2, (2, E), 0, N, dtype=jnp.int64)
    # Learned params of nn1 = Linear(in_dim=128, hid_dim=128) (shared by both SSGConv layers)
    W1 = jax.random.normal(k3, (D, D), dtype=jnp.float32) * (1.0 / np.sqrt(D))
    b1 = jax.random.normal(k4, (D,), dtype=jnp.float32) * 0.01
    return {"x": x, "edge_index": edge_index, "W1": W1, "b1": b1}

def reference(x, edge_index, W1, b1):
    # SSGConv(nn1): GIN-style message passing -> sum-aggregate neighbor features,
    # combine with self features, then apply the shared MLP nn1.
    src = edge_index[0]
    dst = edge_index[1]
    def conv(h):
        msgs = jnp.take(h, src, axis=0)              # gather (SparseCore)
        agg = jnp.zeros_like(h).at[dst].add(msgs)    # scatter-add (SparseCore)
        return (h + agg) @ W1.T + b1
    hid = conv(x)    # gin1
    out = conv(hid)  # gin2 (note: shares nn1, hence hid_dim == in_dim)
    return (out, hid)

if __name__ == "__main__":
    import jax
    _d = setup_inputs()
    print(jax.jit(kernel)(*tuple(_d.values())))

</pallas_src>

<mosaic_0001>
#map = affine_map<(d0, d1) -> (0, 0)>
#map1 = affine_map<(d0, d1) -> (0, 0, 0)>
#map2 = affine_map<(d0, d1) -> (0, 0, 0, 0)>
module attributes {stable_mosaic.version = 14 : i64} {
  func.func @_sc_aggregate_body(%arg0: i32, %arg1: i32, %arg2: memref<10000x64xf32, #tpu.memory_space<hbm>>, %arg3: memref<10000x64xf32, #tpu.memory_space<hbm>>, %arg4: memref<32x80x128xi32, #tpu.memory_space<hbm>>, %arg5: memref<32x80x128xi32, #tpu.memory_space<hbm>>, %arg6: memref<10000x64xf32, #tpu.memory_space<hbm>>, %arg7: memref<2x2x10000x64xf32, #tpu.memory_space<hbm>>, %arg8: memref<80x128xi32, #tpu.memory_space<vmem>>, %arg9: memref<80x128xi32, #tpu.memory_space<vmem>>, %arg10: memref<128x64xf32, #tpu.memory_space<vmem>>, %arg11: memref<128x64xf32, #tpu.memory_space<vmem>>, %arg12: memref<10000x64xf32, #tpu.memory_space<vmem_shared>>, %arg13: memref<!tpu.dma_semaphore, #tpu.memory_space<semaphore_mem>>, %arg14: memref<!tpu.dma_semaphore, #tpu.memory_space<semaphore_mem>>) attributes {dimension_semantics = [#tpu.dimension_semantics<core_parallel>, #tpu.dimension_semantics<subcore_parallel>], iteration_bounds = array<i64: 2, 16>, scalar_prefetch = 0 : i64, scratch_operands = 7 : i64, tpu.core_type = #tpu.core_type<sc_vector_subcore>, window_params = [{transform_indices = #map}, {transform_indices = #map}, {transform_indices = #map1}, {transform_indices = #map1}, {transform_indices = #map}, {transform_indices = #map2}]} {
    %mul3A = arith.constant 2 : i32
    %mul3A_0 = arith.muli %arg1, %mul3A : i32
    %add3A = arith.addi %mul3A_0, %arg0 : i32
    "tpu.region"() ({
      %run_scoped3A_55 = tpu.sem_alloc : memref<!tpu.dma_semaphore, #tpu.memory_space<semaphore_mem>>
      %dma_start3A_56 = arith.constant 0 : i32
      %dma_start3A_57 = arith.constant 0 : i32
      %dma_start3A_58 = tpu.memref_slice %arg4[%add3A, %dma_start3A_56, %dma_start3A_57] : memref<32x80x128xi32, #tpu.memory_space<hbm>> -> memref<1x80x128xi32, #tpu.memory_space<hbm>>
      %dma_start3A_59 = tpu.memref_squeeze %dma_start3A_58 : memref<1x80x128xi32, #tpu.memory_space<hbm>> -> memref<80x128xi32, #tpu.memory_space<hbm>>
      %dma_start3A_60 = arith.constant 0 : i32
      %dma_start3A_61 = arith.constant 0 : i32
      %dma_start3A_62 = tpu.memref_slice %arg4[%add3A, %dma_start3A_60, %dma_start3A_61] : memref<32x80x128xi32, #tpu.memory_space<hbm>> -> memref<1x80x128xi32, #tpu.memory_space<hbm>>
      %dma_start3A_63 = tpu.memref_squeeze %dma_start3A_62 : memref<1x80x128xi32, #tpu.memory_space<hbm>> -> memref<80x128xi32, #tpu.memory_space<hbm>>
      tpu.enqueue_dma source(%dma_start3A_63 : memref<80x128xi32, #tpu.memory_space<hbm>>) target(%arg8 : memref<80x128xi32, #tpu.memory_space<vmem>>) target_semaphore(%run_scoped3A_55 : memref<!tpu.dma_semaphore, #tpu.memory_space<semaphore_mem>>)
      %dma_wait3A = arith.constant 0 : i32
      %dma_wait3A_64 = arith.constant 0 : i32
      %dma_wait3A_65 = tpu.memref_slice %arg4[%add3A, %dma_wait3A, %dma_wait3A_64] : memref<32x80x128xi32, #tpu.memory_space<hbm>> -> memref<1x80x128xi32, #tpu.memory_space<hbm>>
      %dma_wait3A_66 = tpu.memref_squeeze %dma_wait3A_65 : memref<1x80x128xi32, #tpu.memory_space<hbm>> -> memref<80x128xi32, #tpu.memory_space<hbm>>
      %dma_wait3A_67 = arith.constant 0 : i32
      %dma_wait3A_68 = arith.constant 0 : i32
      %dma_wait3A_69 = tpu.memref_slice %arg4[%add3A, %dma_wait3A_67, %dma_wait3A_68] : memref<32x80x128xi32, #tpu.memory_space<hbm>> -> memref<1x80x128xi32, #tpu.memory_space<hbm>>
      %dma_wait3A_70 = tpu.memref_squeeze %dma_wait3A_69 : memref<1x80x128xi32, #tpu.memory_space<hbm>> -> memref<80x128xi32, #tpu.memory_space<hbm>>
      tpu.wait_dma2 semaphore(%run_scoped3A_55 : memref<!tpu.dma_semaphore, #tpu.memory_space<semaphore_mem>>) src(%dma_wait3A_70 : memref<80x128xi32, #tpu.memory_space<hbm>>) dst(%arg8 : memref<80x128xi32, #tpu.memory_space<vmem>>)
      tpu.yield
    }) : () -> ()
    "tpu.region"() ({
      %run_scoped3A_55 = tpu.sem_alloc : memref<!tpu.dma_semaphore, #tpu.memory_space<semaphore_mem>>
      %dma_start3A_56 = arith.constant 0 : i32
      %dma_start3A_57 = arith.constant 0 : i32
      %dma_start3A_58 = tpu.memref_slice %arg5[%add3A, %dma_start3A_56, %dma_start3A_57] : memref<32x80x128xi32, #tpu.memory_space<hbm>> -> memref<1x80x128xi32, #tpu.memory_space<hbm>>
      %dma_start3A_59 = tpu.memref_squeeze %dma_start3A_58 : memref<1x80x128xi32, #tpu.memory_space<hbm>> -> memref<80x128xi32, #tpu.memory_space<hbm>>
      %dma_start3A_60 = arith.constant 0 : i32
      %dma_start3A_61 = arith.constant 0 : i32
      %dma_start3A_62 = tpu.memref_slice %arg5[%add3A, %dma_start3A_60, %dma_start3A_61] : memref<32x80x128xi32, #tpu.memory_space<hbm>> -> memref<1x80x128xi32, #tpu.memory_space<hbm>>
      %dma_start3A_63 = tpu.memref_squeeze %dma_start3A_62 : memref<1x80x128xi32, #tpu.memory_space<hbm>> -> memref<80x128xi32, #tpu.memory_space<hbm>>
      tpu.enqueue_dma source(%dma_start3A_63 : memref<80x128xi32, #tpu.memory_space<hbm>>) target(%arg9 : memref<80x128xi32, #tpu.memory_space<vmem>>) target_semaphore(%run_scoped3A_55 : memref<!tpu.dma_semaphore, #tpu.memory_space<semaphore_mem>>)
      %dma_wait3A = arith.constant 0 : i32
      %dma_wait3A_64 = arith.constant 0 : i32
      %dma_wait3A_65 = tpu.memref_slice %arg5[%add3A, %dma_wait3A, %dma_wait3A_64] : memref<32x80x128xi32, #tpu.memory_space<hbm>> -> memref<1x80x128xi32, #tpu.memory_space<hbm>>
      %dma_wait3A_66 = tpu.memref_squeeze %dma_wait3A_65 : memref<1x80x128xi32, #tpu.memory_space<hbm>> -> memref<80x128xi32, #tpu.memory_space<hbm>>
      %dma_wait3A_67 = arith.constant 0 : i32
      %dma_wait3A_68 = arith.constant 0 : i32
      %dma_wait3A_69 = tpu.memref_slice %arg5[%add3A, %dma_wait3A_67, %dma_wait3A_68] : memref<32x80x128xi32, #tpu.memory_space<hbm>> -> memref<1x80x128xi32, #tpu.memory_space<hbm>>
      %dma_wait3A_70 = tpu.memref_squeeze %dma_wait3A_69 : memref<1x80x128xi32, #tpu.memory_space<hbm>> -> memref<80x128xi32, #tpu.memory_space<hbm>>
      tpu.wait_dma2 semaphore(%run_scoped3A_55 : memref<!tpu.dma_semaphore, #tpu.memory_space<semaphore_mem>>) src(%dma_wait3A_70 : memref<80x128xi32, #tpu.memory_space<hbm>>) dst(%arg9 : memref<80x128xi32, #tpu.memory_space<vmem>>)
      tpu.yield
    }) : () -> ()
    %mul3A_1 = arith.constant 624 : i32
    %mul3A_2 = arith.muli %arg1, %mul3A_1 : i32
    %multiple_of3A = tpu.assume_multiple %mul3A_2, 8 : i32
    "tpu.region"() ({
      %run_scoped3A_55 = tpu.sem_alloc : memref<!tpu.dma_semaphore, #tpu.memory_space<semaphore_mem>>
      %dma_start3A_56 = arith.constant 0 : i32
      %dma_start3A_57 = tpu.memref_slice %arg12[%multiple_of3A, %dma_start3A_56] : memref<10000x64xf32, #tpu.memory_space<vmem_shared>> -> memref<624x64xf32, #tpu.memory_space<vmem_shared>>
      %dma_start3A_58 = arith.constant 0 : i32
      %dma_start3A_59 = tpu.memref_slice %arg6[%multiple_of3A, %dma_start3A_58] : memref<10000x64xf32, #tpu.memory_space<hbm>> -> memref<624x64xf32, #tpu.memory_space<hbm>>
      tpu.enqueue_dma source(%dma_start3A_59 : memref<624x64xf32, #tpu.memory_space<hbm>>) target(%dma_start3A_57 : memref<624x64xf32, #tpu.memory_space<vmem_shared>>) target_semaphore(%run_scoped3A_55 : memref<!tpu.dma_semaphore, #tpu.memory_space<semaphore_mem>>)
      %dma_wait3A = arith.constant 0 : i32
      %dma_wait3A_60 = tpu.memref_slice %arg12[%multiple_of3A, %dma_wait3A] : memref<10000x64xf32, #tpu.memory_space<vmem_shared>> -> memref<624x64xf32, #tpu.memory_space<vmem_shared>>
      %dma_wait3A_61 = arith.constant 0 : i32
      %dma_wait3A_62 = tpu.memref_slice %arg6[%multiple_of3A, %dma_wait3A_61] : memref<10000x64xf32, #tpu.memory_space<hbm>> -> memref<624x64xf32, #tpu.memory_space<hbm>>
      tpu.wait_dma2 semaphore(%run_scoped3A_55 : memref<!tpu.dma_semaphore, #tpu.memory_space<semaphore_mem>>) src(%dma_wait3A_62 : memref<624x64xf32, #tpu.memory_space<hbm>>) dst(%dma_wait3A_60 : memref<624x64xf32, #tpu.memory_space<vmem_shared>>)
      tpu.yield
    }) : () -> ()
    %eq3A = arith.constant 15 : i32
    %eq3A_3 = arith.cmpi eq, %arg1, %eq3A : i32
    %convert_element_type3A = arith.extui %eq3A_3 : i1 to i32
    %cond3A = arith.constant 0 : i32
    %cond3A_4 = arith.cmpi ne, %convert_element_type3A, %cond3A : i32
    scf.if %cond3A_4 {
      "tpu.region"() ({
        %run_scoped3A_55 = tpu.sem_alloc : memref<!tpu.dma_semaphore, #tpu.memory_space<semaphore_mem>>
        %dma_start3A_56 = arith.constant 9984 : i32
        %dma_start3A_57 = arith.constant 0 : i32
        %dma_start3A_58 = tpu.memref_slice %arg12[%dma_start3A_56, %dma_start3A_57] : memref<10000x64xf32, #tpu.memory_space<vmem_shared>> -> memref<16x64xf32, #tpu.memory_space<vmem_shared>>
        %dma_start3A_59 = arith.constant 9984 : i32
        %dma_start3A_60 = arith.constant 0 : i32
        %dma_start3A_61 = tpu.memref_slice %arg6[%dma_start3A_59, %dma_start3A_60] : memref<10000x64xf32, #tpu.memory_space<hbm>> -> memref<16x64xf32, #tpu.memory_space<hbm>>
        tpu.enqueue_dma source(%dma_start3A_61 : memref<16x64xf32, #tpu.memory_space<hbm>>) target(%dma_start3A_58 : memref<16x64xf32, #tpu.memory_space<vmem_shared>>) target_semaphore(%run_scoped3A_55 : memref<!tpu.dma_semaphore, #tpu.memory_space<semaphore_mem>>)
        %dma_wait3A = arith.constant 9984 : i32
        %dma_wait3A_62 = arith.constant 0 : i32
        %dma_wait3A_63 = tpu.memref_slice %arg12[%dma_wait3A, %dma_wait3A_62] : memref<10000x64xf32, #tpu.memory_space<vmem_shared>> -> memref<16x64xf32, #tpu.memory_space<vmem_shared>>
        %dma_wait3A_64 = arith.constant 9984 : i32
        %dma_wait3A_65 = arith.constant 0 : i32
        %dma_wait3A_66 = tpu.memref_slice %arg6[%dma_wait3A_64, %dma_wait3A_65] : memref<10000x64xf32, #tpu.memory_space<hbm>> -> memref<16x64xf32, #tpu.memory_space<hbm>>
        tpu.wait_dma2 semaphore(%run_scoped3A_55 : memref<!tpu.dma_semaphore, #tpu.memory_space<semaphore_mem>>) src(%dma_wait3A_66 : memref<16x64xf32, #tpu.memory_space<hbm>>) dst(%dma_wait3A_63 : memref<16x64xf32, #tpu.memory_space<vmem_shared>>)
        tpu.yield
      }) : () -> ()
    } else {
    }
    %barrier3A = arith.constant 0 : index
    tpu.barrier barrier_id(%barrier3A)
    %dma_start3A = arith.constant 0 : i32
    %dma_start3A_5 = arith.constant 0 : i32
    %dma_start3A_6 = tpu.memref_slice %arg8[%dma_start3A, %dma_start3A_5] : memref<80x128xi32, #tpu.memory_space<vmem>> -> memref<1x128xi32, #tpu.memory_space<vmem>>
    %dma_start3A_7 = tpu.memref_squeeze %dma_start3A_6 : memref<1x128xi32, #tpu.memory_space<vmem>> -> memref<128xi32, #tpu.memory_space<vmem>>
    %dma_start3A_8 = arith.constant 0 : i32
    %dma_start3A_9 = arith.constant 0 : i32
    %dma_start3A_10 = tpu.memref_slice %arg2[%dma_start3A_8, %dma_start3A_9] : memref<10000x64xf32, #tpu.memory_space<hbm>> -> memref<10000x64xf32, #tpu.memory_space<hbm>>
    tpu.enqueue_indirect_dma source(%dma_start3A_10 : memref<10000x64xf32, #tpu.memory_space<hbm>>) target(%arg10 : memref<128x64xf32, #tpu.memory_space<vmem>>) offsets(%dma_start3A_7 : memref<128xi32, #tpu.memory_space<vmem>>) semaphore(%arg13 : memref<!tpu.dma_semaphore, #tpu.memory_space<semaphore_mem>>)
    %scan3A = arith.constant 0 : i32
    %scan3A_11 = arith.constant 0 : i32
    %scan3A_12 = arith.constant 40 : i32
    %scan3A_13 = arith.addi %scan3A_11, %scan3A_12 : i32
    %scan3A_14 = arith.constant 1 : i32
    scf.for %scan3A_55 = %scan3A_11 to %scan3A_13 step %scan3A_14  : i32 {
      %mul3A_56 = arith.constant 2 : i32
      %mul3A_57 = arith.muli %mul3A_56, %scan3A_55 : i32
      %mul3A_58 = arith.constant 2 : i32
      %mul3A_59 = arith.muli %mul3A_58, %scan3A_55 : i32
      %add3A_60 = arith.constant 1 : i32
      %add3A_61 = arith.addi %mul3A_59, %add3A_60 : i32
      %dma_start3A_62 = arith.constant 0 : i32
      %dma_start3A_63 = tpu.memref_slice %arg8[%add3A_61, %dma_start3A_62] : memref<80x128xi32, #tpu.memory_space<vmem>> -> memref<1x128xi32, #tpu.memory_space<vmem>>
      %dma_start3A_64 = tpu.memref_squeeze %dma_start3A_63 : memref<1x128xi32, #tpu.memory_space<vmem>> -> memref<128xi32, #tpu.memory_space<vmem>>
      %dma_start3A_65 = arith.constant 0 : i32
      %dma_start3A_66 = arith.constant 0 : i32
      %dma_start3A_67 = tpu.memref_slice %arg2[%dma_start3A_65, %dma_start3A_66] : memref<10000x64xf32, #tpu.memory_space<hbm>> -> memref<10000x64xf32, #tpu.memory_space<hbm>>
      tpu.enqueue_indirect_dma source(%dma_start3A_67 : memref<10000x64xf32, #tpu.memory_space<hbm>>) target(%arg11 : memref<128x64xf32, #tpu.memory_space<vmem>>) offsets(%dma_start3A_64 : memref<128xi32, #tpu.memory_space<vmem>>) semaphore(%arg14 : memref<!tpu.dma_semaphore, #tpu.memory_space<semaphore_mem>>)
      %dma_wait3A = arith.constant 0 : i32
      %dma_wait3A_68 = tpu.memref_slice %arg8[%mul3A_57, %dma_wait3A] : memref<80x128xi32, #tpu.memory_space<vmem>> -> memref<1x128xi32, #tpu.memory_space<vmem>>
      %dma_wait3A_69 = tpu.memref_squeeze %dma_wait3A_68 : memref<1x128xi32, #tpu.memory_space<vmem>> -> memref<128xi32, #tpu.memory_space<vmem>>
      %dma_wait3A_70 = arith.constant 0 : i32
      %dma_wait3A_71 = arith.constant 0 : i32
      %dma_wait3A_72 = tpu.memref_slice %arg2[%dma_wait3A_70, %dma_wait3A_71] : memref<10000x64xf32, #tpu.memory_space<hbm>> -> memref<10000x64xf32, #tpu.memory_space<hbm>>
      tpu.wait_indirect_dma semaphore(%arg13 : memref<!tpu.dma_semaphore, #tpu.memory_space<semaphore_mem>>) src(%dma_wait3A_72 : memref<10000x64xf32, #tpu.memory_space<hbm>>) dst(%arg10 : memref<128x64xf32, #tpu.memory_space<vmem>>)
      "tpu.region"() ({
        %run_scoped3A_85 = tpu.sem_alloc : memref<!tpu.dma_semaphore, #tpu.memory_space<semaphore_mem>>
        %dma_start3A_86 = arith.constant 0 : i32
        %dma_start3A_87 = tpu.memref_slice %arg9[%mul3A_57, %dma_start3A_86] : memref<80x128xi32, #tpu.memory_space<vmem>> -> memref<1x128xi32, #tpu.memory_space<vmem>>
        %dma_start3A_88 = tpu.memref_squeeze %dma_start3A_87 : memref<1x128xi32, #tpu.memory_space<vmem>> -> memref<128xi32, #tpu.memory_space<vmem>>
        %dma_start3A_89 = arith.constant 0 : i32
        %dma_start3A_90 = arith.constant 0 : i32
        %dma_start3A_91 = tpu.memref_slice %arg12[%dma_start3A_89, %dma_start3A_90] : memref<10000x64xf32, #tpu.memory_space<vmem_shared>> -> memref<10000x64xf32, #tpu.memory_space<vmem_shared>>
        tpu.enqueue_indirect_dma source(%arg10 : memref<128x64xf32, #tpu.memory_space<vmem>>) target(%dma_start3A_91 : memref<10000x64xf32, #tpu.memory_space<vmem_shared>>) offsets(%dma_start3A_88 : memref<128xi32, #tpu.memory_space<vmem>>) semaphore(%run_scoped3A_85 : memref<!tpu.dma_semaphore, #tpu.memory_space<semaphore_mem>>) {add = true}
        %dma_wait3A_92 = arith.constant 0 : i32
        %dma_wait3A_93 = tpu.memref_slice %arg9[%mul3A_57, %dma_wait3A_92] : memref<80x128xi32, #tpu.memory_space<vmem>> -> memref<1x128xi32, #tpu.memory_space<vmem>>
        %dma_wait3A_94 = tpu.memref_squeeze %dma_wait3A_93 : memref<1x128xi32, #tpu.memory_space<vmem>> -> memref<128xi32, #tpu.memory_space<vmem>>
        %dma_wait3A_95 = arith.constant 0 : i32
        %dma_wait3A_96 = arith.constant 0 : i32
        %dma_wait3A_97 = tpu.memref_slice %arg12[%dma_wait3A_95, %dma_wait3A_96] : memref<10000x64xf32, #tpu.memory_space<vmem_shared>> -> memref<10000x64xf32, #tpu.memory_space<vmem_shared>>
        tpu.wait_indirect_dma semaphore(%run_scoped3A_85 : memref<!tpu.dma_semaphore, #tpu.memory_space<semaphore_mem>>) src(%arg10 : memref<128x64xf32, #tpu.memory_space<vmem>>) dst(%dma_wait3A_97 : memref<10000x64xf32, #tpu.memory_space<vmem_shared>>)
        tpu.yield
      }) : () -> ()
      %add3A_73 = arith.constant 1 : i32
      %add3A_74 = arith.addi %add3A_61, %add3A_73 : i32
      %lt3A = arith.constant 80 : i32
      %lt3A_75 = arith.cmpi slt, %add3A_74, %lt3A : i32
      %convert_element_type3A_76 = arith.extui %lt3A_75 : i1 to i32
      %cond3A_77 = arith.constant 0 : i32
      %cond3A_78 = arith.cmpi ne, %convert_element_type3A_76, %cond3A_77 : i32
      scf.if %cond3A_78 {
        %add3A_85 = arith.constant 1 : i32
        %add3A_86 = arith.addi %add3A_61, %add3A_85 : i32
        %dma_start3A_87 = arith.constant 0 : i32
        %dma_start3A_88 = tpu.memref_slice %arg8[%add3A_86, %dma_start3A_87] : memref<80x128xi32, #tpu.memory_space<vmem>> -> memref<1x128xi32, #tpu.memory_space<vmem>>
        %dma_start3A_89 = tpu.memref_squeeze %dma_start3A_88 : memref<1x128xi32, #tpu.memory_space<vmem>> -> memref<128xi32, #tpu.memory_space<vmem>>
        %dma_start3A_90 = arith.constant 0 : i32
        %dma_start3A_91 = arith.constant 0 : i32
        %dma_start3A_92 = tpu.memref_slice %arg2[%dma_start3A_90, %dma_start3A_91] : memref<10000x64xf32, #tpu.memory_space<hbm>> -> memref<10000x64xf32, #tpu.memory_space<hbm>>
        tpu.enqueue_indirect_dma source(%dma_start3A_92 : memref<10000x64xf32, #tpu.memory_space<hbm>>) target(%arg10 : memref<128x64xf32, #tpu.memory_space<vmem>>) offsets(%dma_start3A_89 : memref<128xi32, #tpu.memory_space<vmem>>) semaphore(%arg13 : memref<!tpu.dma_semaphore, #tpu.memory_space<semaphore_mem>>)
      } else {
      }
      %dma_wait3A_79 = arith.constant 0 : i32
      %dma_wait3A_80 = tpu.memref_slice %arg8[%add3A_61, %dma_wait3A_79] : memref<80x128xi32, #tpu.memory_space<vmem>> -> memref<1x128xi32, #tpu.memory_space<vmem>>
      %dma_wait3A_81 = tpu.memref_squeeze %dma_wait3A_80 : memref<1x128xi32, #tpu.memory_space<vmem>> -> memref<128xi32, #tpu.memory_space<vmem>>
      %dma_wait3A_82 = arith.constant 0 : i32
      %dma_wait3A_83 = arith.constant 0 : i32
      %dma_wait3A_84 = tpu.memref_slice %arg2[%dma_wait3A_82, %dma_wait3A_83] : memref<10000x64xf32, #tpu.memory_space<hbm>> -> memref<10000x64xf32, #tpu.memory_space<hbm>>
      tpu.wait_indirect_dma semaphore(%arg14 : memref<!tpu.dma_semaphore, #tpu.memory_space<semaphore_mem>>) src(%dma_wait3A_84 : memref<10000x64xf32, #tpu.memory_space<hbm>>) dst(%arg11 : memref<128x64xf32, #tpu.memory_space<vmem>>)
      "tpu.region"() ({
        %run_scoped3A_85 = tpu.sem_alloc : memref<!tpu.dma_semaphore, #tpu.memory_space<semaphore_mem>>
        %dma_start3A_86 = arith.constant 0 : i32
        %dma_start3A_87 = tpu.memref_slice %arg9[%add3A_61, %dma_start3A_86] : memref<80x128xi32, #tpu.memory_space<vmem>> -> memref<1x128xi32, #tpu.memory_space<vmem>>
        %dma_start3A_88 = tpu.memref_squeeze %dma_start3A_87 : memref<1x128xi32, #tpu.memory_space<vmem>> -> memref<128xi32, #tpu.memory_space<vmem>>
        %dma_start3A_89 = arith.constant 0 : i32
        %dma_start3A_90 = arith.constant 0 : i32
        %dma_start3A_91 = tpu.memref_slice %arg12[%dma_start3A_89, %dma_start3A_90] : memref<10000x64xf32, #tpu.memory_space<vmem_shared>> -> memref<10000x64xf32, #tpu.memory_space<vmem_shared>>
        tpu.enqueue_indirect_dma source(%arg11 : memref<128x64xf32, #tpu.memory_space<vmem>>) target(%dma_start3A_91 : memref<10000x64xf32, #tpu.memory_space<vmem_shared>>) offsets(%dma_start3A_88 : memref<128xi32, #tpu.memory_space<vmem>>) semaphore(%run_scoped3A_85 : memref<!tpu.dma_semaphore, #tpu.memory_space<semaphore_mem>>) {add = true}
        %dma_wait3A_92 = arith.constant 0 : i32
        %dma_wait3A_93 = tpu.memref_slice %arg9[%add3A_61, %dma_wait3A_92] : memref<80x128xi32, #tpu.memory_space<vmem>> -> memref<1x128xi32, #tpu.memory_space<vmem>>
        %dma_wait3A_94 = tpu.memref_squeeze %dma_wait3A_93 : memref<1x128xi32, #tpu.memory_space<vmem>> -> memref<128xi32, #tpu.memory_space<vmem>>
        %dma_wait3A_95 = arith.constant 0 : i32
        %dma_wait3A_96 = arith.constant 0 : i32
        %dma_wait3A_97 = tpu.memref_slice %arg12[%dma_wait3A_95, %dma_wait3A_96] : memref<10000x64xf32, #tpu.memory_space<vmem_shared>> -> memref<10000x64xf32, #tpu.memory_space<vmem_shared>>
        tpu.wait_indirect_dma semaphore(%run_scoped3A_85 : memref<!tpu.dma_semaphore, #tpu.memory_space<semaphore_mem>>) src(%arg11 : memref<128x64xf32, #tpu.memory_space<vmem>>) dst(%dma_wait3A_97 : memref<10000x64xf32, #tpu.memory_space<vmem_shared>>)
        tpu.yield
      }) : () -> ()
    }
    %scan3A_15 = arith.constant 40 : i32
    %barrier3A_16 = arith.constant 0 : index
    tpu.barrier barrier_id(%barrier3A_16)
    %run_scoped3A = arith.constant 0 : i32
    "tpu.region"() ({
      %run_scoped3A_55 = tpu.sem_alloc : memref<!tpu.dma_semaphore, #tpu.memory_space<semaphore_mem>>
      %dma_start3A_56 = arith.constant 0 : i32
      %dma_start3A_57 = arith.constant 0 : i32
      %dma_start3A_58 = arith.constant 0 : i32
      %dma_start3A_59 = tpu.memref_slice %arg7[%run_scoped3A, %dma_start3A_56, %dma_start3A_57, %dma_start3A_58] : memref<2x2x10000x64xf32, #tpu.memory_space<hbm>> -> memref<1x2x10000x64xf32, #tpu.memory_space<hbm>>
      %dma_start3A_60 = tpu.memref_squeeze %dma_start3A_59 : memref<1x2x10000x64xf32, #tpu.memory_space<hbm>> -> memref<2x10000x64xf32, #tpu.memory_space<hbm>>
      %dma_start3A_61 = arith.constant 0 : i32
      %dma_start3A_62 = tpu.memref_slice %dma_start3A_60[%arg0, %multiple_of3A, %dma_start3A_61] : memref<2x10000x64xf32, #tpu.memory_space<hbm>> -> memref<1x624x64xf32, #tpu.memory_space<hbm>>
      %dma_start3A_63 = tpu.memref_squeeze %dma_start3A_62 : memref<1x624x64xf32, #tpu.memory_space<hbm>> -> memref<624x64xf32, #tpu.memory_space<hbm>>
      %dma_start3A_64 = arith.constant 0 : i32
      %dma_start3A_65 = tpu.memref_slice %arg12[%multiple_of3A, %dma_start3A_64] : memref<10000x64xf32, #tpu.memory_space<vmem_shared>> -> memref<624x64xf32, #tpu.memory_space<vmem_shared>>
      tpu.enqueue_dma source(%dma_start3A_65 : memref<624x64xf32, #tpu.memory_space<vmem_shared>>) target(%dma_start3A_63 : memref<624x64xf32, #tpu.memory_space<hbm>>) target_semaphore(%run_scoped3A_55 : memref<!tpu.dma_semaphore, #tpu.memory_space<semaphore_mem>>)
      %dma_wait3A = arith.constant 0 : i32
      %dma_wait3A_66 = arith.constant 0 : i32
      %dma_wait3A_67 = arith.constant 0 : i32
      %dma_wait3A_68 = tpu.memref_slice %arg7[%run_scoped3A, %dma_wait3A, %dma_wait3A_66, %dma_wait3A_67] : memref<2x2x10000x64xf32, #tpu.memory_space<hbm>> -> memref<1x2x10000x64xf32, #tpu.memory_space<hbm>>
      %dma_wait3A_69 = tpu.memref_squeeze %dma_wait3A_68 : memref<1x2x10000x64xf32, #tpu.memory_space<hbm>> -> memref<2x10000x64xf32, #tpu.memory_space<hbm>>
      %dma_wait3A_70 = arith.constant 0 : i32
      %dma_wait3A_71 = tpu.memref_slice %dma_wait3A_69[%arg0, %multiple_of3A, %dma_wait3A_70] : memref<2x10000x64xf32, #tpu.memory_space<hbm>> -> memref<1x624x64xf32, #tpu.memory_space<hbm>>
      %dma_wait3A_72 = tpu.memref_squeeze %dma_wait3A_71 : memref<1x624x64xf32, #tpu.memory_space<hbm>> -> memref<624x64xf32, #tpu.memory_space<hbm>>
      %dma_wait3A_73 = arith.constant 0 : i32
      %dma_wait3A_74 = tpu.memref_slice %arg12[%multiple_of3A, %dma_wait3A_73] : memref<10000x64xf32, #tpu.memory_space<vmem_shared>> -> memref<624x64xf32, #tpu.memory_space<vmem_shared>>
      tpu.wait_dma2 semaphore(%run_scoped3A_55 : memref<!tpu.dma_semaphore, #tpu.memory_space<semaphore_mem>>) src(%dma_wait3A_74 : memref<624x64xf32, #tpu.memory_space<vmem_shared>>) dst(%dma_wait3A_72 : memref<624x64xf32, #tpu.memory_space<hbm>>)
      tpu.yield
    }) : () -> ()
    %eq3A_17 = arith.constant 15 : i32
    %eq3A_18 = arith.cmpi eq, %arg1, %eq3A_17 : i32
    %convert_element_type3A_19 = arith.extui %eq3A_18 : i1 to i32
    %cond3A_20 = arith.constant 0 : i32
    %cond3A_21 = arith.constant 0 : i32
    %cond3A_22 = arith.cmpi ne, %convert_element_type3A_19, %cond3A_21 : i32
    scf.if %cond3A_22 {
      "tpu.region"() ({
        %run_scoped3A_55 = tpu.sem_alloc : memref<!tpu.dma_semaphore, #tpu.memory_space<semaphore_mem>>
        %dma_start3A_56 = arith.constant 0 : i32
        %dma_start3A_57 = arith.constant 0 : i32
        %dma_start3A_58 = arith.constant 0 : i32
        %dma_start3A_59 = tpu.memref_slice %arg7[%cond3A_20, %dma_start3A_56, %dma_start3A_57, %dma_start3A_58] : memref<2x2x10000x64xf32, #tpu.memory_space<hbm>> -> memref<1x2x10000x64xf32, #tpu.memory_space<hbm>>
        %dma_start3A_60 = tpu.memref_squeeze %dma_start3A_59 : memref<1x2x10000x64xf32, #tpu.memory_space<hbm>> -> memref<2x10000x64xf32, #tpu.memory_space<hbm>>
        %dma_start3A_61 = arith.constant 9984 : i32
        %dma_start3A_62 = arith.constant 0 : i32
        %dma_start3A_63 = tpu.memref_slice %dma_start3A_60[%arg0, %dma_start3A_61, %dma_start3A_62] : memref<2x10000x64xf32, #tpu.memory_space<hbm>> -> memref<1x16x64xf32, #tpu.memory_space<hbm>>
        %dma_start3A_64 = tpu.memref_squeeze %dma_start3A_63 : memref<1x16x64xf32, #tpu.memory_space<hbm>> -> memref<16x64xf32, #tpu.memory_space<hbm>>
        %dma_start3A_65 = arith.constant 9984 : i32
        %dma_start3A_66 = arith.constant 0 : i32
        %dma_start3A_67 = tpu.memref_slice %arg12[%dma_start3A_65, %dma_start3A_66] : memref<10000x64xf32, #tpu.memory_space<vmem_shared>> -> memref<16x64xf32, #tpu.memory_space<vmem_shared>>
        tpu.enqueue_dma source(%dma_start3A_67 : memref<16x64xf32, #tpu.memory_space<vmem_shared>>) target(%dma_start3A_64 : memref<16x64xf32, #tpu.memory_space<hbm>>) target_semaphore(%run_scoped3A_55 : memref<!tpu.dma_semaphore, #tpu.memory_space<semaphore_mem>>)
        %dma_wait3A = arith.constant 0 : i32
        %dma_wait3A_68 = arith.constant 0 : i32
        %dma_wait3A_69 = arith.constant 0 : i32
        %dma_wait3A_70 = tpu.memref_slice %arg7[%cond3A_20, %dma_wait3A, %dma_wait3A_68, %dma_wait3A_69] : memref<2x2x10000x64xf32, #tpu.memory_space<hbm>> -> memref<1x2x10000x64xf32, #tpu.memory_space<hbm>>
        %dma_wait3A_71 = tpu.memref_squeeze %dma_wait3A_70 : memref<1x2x10000x64xf32, #tpu.memory_space<hbm>> -> memref<2x10000x64xf32, #tpu.memory_space<hbm>>
        %dma_wait3A_72 = arith.constant 9984 : i32
        %dma_wait3A_73 = arith.constant 0 : i32
        %dma_wait3A_74 = tpu.memref_slice %dma_wait3A_71[%arg0, %dma_wait3A_72, %dma_wait3A_73] : memref<2x10000x64xf32, #tpu.memory_space<hbm>> -> memref<1x16x64xf32, #tpu.memory_space<hbm>>
        %dma_wait3A_75 = tpu.memref_squeeze %dma_wait3A_74 : memref<1x16x64xf32, #tpu.memory_space<hbm>> -> memref<16x64xf32, #tpu.memory_space<hbm>>
        %dma_wait3A_76 = arith.constant 9984 : i32
        %dma_wait3A_77 = arith.constant 0 : i32
        %dma_wait3A_78 = tpu.memref_slice %arg12[%dma_wait3A_76, %dma_wait3A_77] : memref<10000x64xf32, #tpu.memory_space<vmem_shared>> -> memref<16x64xf32, #tpu.memory_space<vmem_shared>>
        tpu.wait_dma2 semaphore(%run_scoped3A_55 : memref<!tpu.dma_semaphore, #tpu.memory_space<semaphore_mem>>) src(%dma_wait3A_78 : memref<16x64xf32, #tpu.memory_space<vmem_shared>>) dst(%dma_wait3A_75 : memref<16x64xf32, #tpu.memory_space<hbm>>)
        tpu.yield
      }) : () -> ()
    } else {
    }
    %barrier3A_23 = arith.constant 0 : index
    tpu.barrier barrier_id(%barrier3A_23)
    %mul3A_24 = arith.constant 624 : i32
    %mul3A_25 = arith.muli %arg1, %mul3A_24 : i32
    %multiple_of3A_26 = tpu.assume_multiple %mul3A_25, 8 : i32
    "tpu.region"() ({
      %run_scoped3A_55 = tpu.sem_alloc : memref<!tpu.dma_semaphore, #tpu.memory_space<semaphore_mem>>
      %dma_start3A_56 = arith.constant 0 : i32
      %dma_start3A_57 = tpu.memref_slice %arg12[%multiple_of3A_26, %dma_start3A_56] : memref<10000x64xf32, #tpu.memory_space<vmem_shared>> -> memref<624x64xf32, #tpu.memory_space<vmem_shared>>
      %dma_start3A_58 = arith.constant 0 : i32
      %dma_start3A_59 = tpu.memref_slice %arg6[%multiple_of3A_26, %dma_start3A_58] : memref<10000x64xf32, #tpu.memory_space<hbm>> -> memref<624x64xf32, #tpu.memory_space<hbm>>
      tpu.enqueue_dma source(%dma_start3A_59 : memref<624x64xf32, #tpu.memory_space<hbm>>) target(%dma_start3A_57 : memref<624x64xf32, #tpu.memory_space<vmem_shared>>) target_semaphore(%run_scoped3A_55 : memref<!tpu.dma_semaphore, #tpu.memory_space<semaphore_mem>>)
      %dma_wait3A = arith.constant 0 : i32
      %dma_wait3A_60 = tpu.memref_slice %arg12[%multiple_of3A_26, %dma_wait3A] : memref<10000x64xf32, #tpu.memory_space<vmem_shared>> -> memref<624x64xf32, #tpu.memory_space<vmem_shared>>
      %dma_wait3A_61 = arith.constant 0 : i32
      %dma_wait3A_62 = tpu.memref_slice %arg6[%multiple_of3A_26, %dma_wait3A_61] : memref<10000x64xf32, #tpu.memory_space<hbm>> -> memref<624x64xf32, #tpu.memory_space<hbm>>
      tpu.wait_dma2 semaphore(%run_scoped3A_55 : memref<!tpu.dma_semaphore, #tpu.memory_space<semaphore_mem>>) src(%dma_wait3A_62 : memref<624x64xf32, #tpu.memory_space<hbm>>) dst(%dma_wait3A_60 : memref<624x64xf32, #tpu.memory_space<vmem_shared>>)
      tpu.yield
    }) : () -> ()
    %eq3A_27 = arith.constant 15 : i32
    %eq3A_28 = arith.cmpi eq, %arg1, %eq3A_27 : i32
    %convert_element_type3A_29 = arith.extui %eq3A_28 : i1 to i32
    %cond3A_30 = arith.constant 0 : i32
    %cond3A_31 = arith.cmpi ne, %convert_element_type3A_29, %cond3A_30 : i32
    scf.if %cond3A_31 {
      "tpu.region"() ({
        %run_scoped3A_55 = tpu.sem_alloc : memref<!tpu.dma_semaphore, #tpu.memory_space<semaphore_mem>>
        %dma_start3A_56 = arith.constant 9984 : i32
        %dma_start3A_57 = arith.constant 0 : i32
        %dma_start3A_58 = tpu.memref_slice %arg12[%dma_start3A_56, %dma_start3A_57] : memref<10000x64xf32, #tpu.memory_space<vmem_shared>> -> memref<16x64xf32, #tpu.memory_space<vmem_shared>>
        %dma_start3A_59 = arith.constant 9984 : i32
        %dma_start3A_60 = arith.constant 0 : i32
        %dma_start3A_61 = tpu.memref_slice %arg6[%dma_start3A_59, %dma_start3A_60] : memref<10000x64xf32, #tpu.memory_space<hbm>> -> memref<16x64xf32, #tpu.memory_space<hbm>>
        tpu.enqueue_dma source(%dma_start3A_61 : memref<16x64xf32, #tpu.memory_space<hbm>>) target(%dma_start3A_58 : memref<16x64xf32, #tpu.memory_space<vmem_shared>>) target_semaphore(%run_scoped3A_55 : memref<!tpu.dma_semaphore, #tpu.memory_space<semaphore_mem>>)
        %dma_wait3A = arith.constant 9984 : i32
        %dma_wait3A_62 = arith.constant 0 : i32
        %dma_wait3A_63 = tpu.memref_slice %arg12[%dma_wait3A, %dma_wait3A_62] : memref<10000x64xf32, #tpu.memory_space<vmem_shared>> -> memref<16x64xf32, #tpu.memory_space<vmem_shared>>
        %dma_wait3A_64 = arith.constant 9984 : i32
        %dma_wait3A_65 = arith.constant 0 : i32
        %dma_wait3A_66 = tpu.memref_slice %arg6[%dma_wait3A_64, %dma_wait3A_65] : memref<10000x64xf32, #tpu.memory_space<hbm>> -> memref<16x64xf32, #tpu.memory_space<hbm>>
        tpu.wait_dma2 semaphore(%run_scoped3A_55 : memref<!tpu.dma_semaphore, #tpu.memory_space<semaphore_mem>>) src(%dma_wait3A_66 : memref<16x64xf32, #tpu.memory_space<hbm>>) dst(%dma_wait3A_63 : memref<16x64xf32, #tpu.memory_space<vmem_shared>>)
        tpu.yield
      }) : () -> ()
    } else {
    }
    %barrier3A_32 = arith.constant 0 : index
    tpu.barrier barrier_id(%barrier3A_32)
    %dma_start3A_33 = arith.constant 0 : i32
    %dma_start3A_34 = arith.constant 0 : i32
    %dma_start3A_35 = tpu.memref_slice %arg8[%dma_start3A_33, %dma_start3A_34] : memref<80x128xi32, #tpu.memory_space<vmem>> -> memref<1x128xi32, #tpu.memory_space<vmem>>
    %dma_start3A_36 = tpu.memref_squeeze %dma_start3A_35 : memref<1x128xi32, #tpu.memory_space<vmem>> -> memref<128xi32, #tpu.memory_space<vmem>>
    %dma_start3A_37 = arith.constant 0 : i32
    %dma_start3A_38 = arith.constant 0 : i32
    %dma_start3A_39 = tpu.memref_slice %arg3[%dma_start3A_37, %dma_start3A_38] : memref<10000x64xf32, #tpu.memory_space<hbm>> -> memref<10000x64xf32, #tpu.memory_space<hbm>>
    tpu.enqueue_indirect_dma source(%dma_start3A_39 : memref<10000x64xf32, #tpu.memory_space<hbm>>) target(%arg10 : memref<128x64xf32, #tpu.memory_space<vmem>>) offsets(%dma_start3A_36 : memref<128xi32, #tpu.memory_space<vmem>>) semaphore(%arg13 : memref<!tpu.dma_semaphore, #tpu.memory_space<semaphore_mem>>)
    %scan3A_40 = arith.constant 0 : i32
    %scan3A_41 = arith.constant 0 : i32
    %scan3A_42 = arith.constant 40 : i32
    %scan3A_43 = arith.addi %scan3A_41, %scan3A_42 : i32
    %scan3A_44 = arith.constant 1 : i32
    scf.for %scan3A_55 = %scan3A_41 to %scan3A_43 step %scan3A_44  : i32 {
      %mul3A_56 = arith.constant 2 : i32
      %mul3A_57 = arith.muli %mul3A_56, %scan3A_55 : i32
      %mul3A_58 = arith.constant 2 : i32
      %mul3A_59 = arith.muli %mul3A_58, %scan3A_55 : i32
      %add3A_60 = arith.constant 1 : i32
      %add3A_61 = arith.addi %mul3A_59, %add3A_60 : i32
      %dma_start3A_62 = arith.constant 0 : i32
      %dma_start3A_63 = tpu.memref_slice %arg8[%add3A_61, %dma_start3A_62] : memref<80x128xi32, #tpu.memory_space<vmem>> -> memref<1x128xi32, #tpu.memory_space<vmem>>
      %dma_start3A_64 = tpu.memref_squeeze %dma_start3A_63 : memref<1x128xi32, #tpu.memory_space<vmem>> -> memref<128xi32, #tpu.memory_space<vmem>>
      %dma_start3A_65 = arith.constant 0 : i32
      %dma_start3A_66 = arith.constant 0 : i32
      %dma_start3A_67 = tpu.memref_slice %arg3[%dma_start3A_65, %dma_start3A_66] : memref<10000x64xf32, #tpu.memory_space<hbm>> -> memref<10000x64xf32, #tpu.memory_space<hbm>>
      tpu.enqueue_indirect_dma source(%dma_start3A_67 : memref<10000x64xf32, #tpu.memory_space<hbm>>) target(%arg11 : memref<128x64xf32, #tpu.memory_space<vmem>>) offsets(%dma_start3A_64 : memref<128xi32, #tpu.memory_space<vmem>>) semaphore(%arg14 : memref<!tpu.dma_semaphore, #tpu.memory_space<semaphore_mem>>)
      %dma_wait3A = arith.constant 0 : i32
      %dma_wait3A_68 = tpu.memref_slice %arg8[%mul3A_57, %dma_wait3A] : memref<80x128xi32, #tpu.memory_space<vmem>> -> memref<1x128xi32, #tpu.memory_space<vmem>>
      %dma_wait3A_69 = tpu.memref_squeeze %dma_wait3A_68 : memref<1x128xi32, #tpu.memory_space<vmem>> -> memref<128xi32, #tpu.memory_space<vmem>>
      %dma_wait3A_70 = arith.constant 0 : i32
      %dma_wait3A_71 = arith.constant 0 : i32
      %dma_wait3A_72 = tpu.memref_slice %arg3[%dma_wait3A_70, %dma_wait3A_71] : memref<10000x64xf32, #tpu.memory_space<hbm>> -> memref<10000x64xf32, #tpu.memory_space<hbm>>
      tpu.wait_indirect_dma semaphore(%arg13 : memref<!tpu.dma_semaphore, #tpu.memory_space<semaphore_mem>>) src(%dma_wait3A_72 : memref<10000x64xf32, #tpu.memory_space<hbm>>) dst(%arg10 : memref<128x64xf32, #tpu.memory_space<vmem>>)
      "tpu.region"() ({
        %run_scoped3A_85 = tpu.sem_alloc : memref<!tpu.dma_semaphore, #tpu.memory_space<semaphore_mem>>
        %dma_start3A_86 = arith.constant 0 : i32
        %dma_start3A_87 = tpu.memref_slice %arg9[%mul3A_57, %dma_start3A_86] : memref<80x128xi32, #tpu.memory_space<vmem>> -> memref<1x128xi32, #tpu.memory_space<vmem>>
        %dma_start3A_88 = tpu.memref_squeeze %dma_start3A_87 : memref<1x128xi32, #tpu.memory_space<vmem>> -> memref<128xi32, #tpu.memory_space<vmem>>
        %dma_start3A_89 = arith.constant 0 : i32
        %dma_start3A_90 = arith.constant 0 : i32
        %dma_start3A_91 = tpu.memref_slice %arg12[%dma_start3A_89, %dma_start3A_90] : memref<10000x64xf32, #tpu.memory_space<vmem_shared>> -> memref<10000x64xf32, #tpu.memory_space<vmem_shared>>
        tpu.enqueue_indirect_dma source(%arg10 : memref<128x64xf32, #tpu.memory_space<vmem>>) target(%dma_start3A_91 : memref<10000x64xf32, #tpu.memory_space<vmem_shared>>) offsets(%dma_start3A_88 : memref<128xi32, #tpu.memory_space<vmem>>) semaphore(%run_scoped3A_85 : memref<!tpu.dma_semaphore, #tpu.memory_space<semaphore_mem>>) {add = true}
        %dma_wait3A_92 = arith.constant 0 : i32
        %dma_wait3A_93 = tpu.memref_slice %arg9[%mul3A_57, %dma_wait3A_92] : memref<80x128xi32, #tpu.memory_space<vmem>> -> memref<1x128xi32, #tpu.memory_space<vmem>>
        %dma_wait3A_94 = tpu.memref_squeeze %dma_wait3A_93 : memref<1x128xi32, #tpu.memory_space<vmem>> -> memref<128xi32, #tpu.memory_space<vmem>>
        %dma_wait3A_95 = arith.constant 0 : i32
        %dma_wait3A_96 = arith.constant 0 : i32
        %dma_wait3A_97 = tpu.memref_slice %arg12[%dma_wait3A_95, %dma_wait3A_96] : memref<10000x64xf32, #tpu.memory_space<vmem_shared>> -> memref<10000x64xf32, #tpu.memory_space<vmem_shared>>
        tpu.wait_indirect_dma semaphore(%run_scoped3A_85 : memref<!tpu.dma_semaphore, #tpu.memory_space<semaphore_mem>>) src(%arg10 : memref<128x64xf32, #tpu.memory_space<vmem>>) dst(%dma_wait3A_97 : memref<10000x64xf32, #tpu.memory_space<vmem_shared>>)
        tpu.yield
      }) : () -> ()
      %add3A_73 = arith.constant 1 : i32
      %add3A_74 = arith.addi %add3A_61, %add3A_73 : i32
      %lt3A = arith.constant 80 : i32
      %lt3A_75 = arith.cmpi slt, %add3A_74, %lt3A : i32
      %convert_element_type3A_76 = arith.extui %lt3A_75 : i1 to i32
      %cond3A_77 = arith.constant 0 : i32
      %cond3A_78 = arith.cmpi ne, %convert_element_type3A_76, %cond3A_77 : i32
      scf.if %cond3A_78 {
        %add3A_85 = arith.constant 1 : i32
        %add3A_86 = arith.addi %add3A_61, %add3A_85 : i32
        %dma_start3A_87 = arith.constant 0 : i32
        %dma_start3A_88 = tpu.memref_slice %arg8[%add3A_86, %dma_start3A_87] : memref<80x128xi32, #tpu.memory_space<vmem>> -> memref<1x128xi32, #tpu.memory_space<vmem>>
        %dma_start3A_89 = tpu.memref_squeeze %dma_start3A_88 : memref<1x128xi32, #tpu.memory_space<vmem>> -> memref<128xi32, #tpu.memory_space<vmem>>
        %dma_start3A_90 = arith.constant 0 : i32
        %dma_start3A_91 = arith.constant 0 : i32
        %dma_start3A_92 = tpu.memref_slice %arg3[%dma_start3A_90, %dma_start3A_91] : memref<10000x64xf32, #tpu.memory_space<hbm>> -> memref<10000x64xf32, #tpu.memory_space<hbm>>
        tpu.enqueue_indirect_dma source(%dma_start3A_92 : memref<10000x64xf32, #tpu.memory_space<hbm>>) target(%arg10 : memref<128x64xf32, #tpu.memory_space<vmem>>) offsets(%dma_start3A_89 : memref<128xi32, #tpu.memory_space<vmem>>) semaphore(%arg13 : memref<!tpu.dma_semaphore, #tpu.memory_space<semaphore_mem>>)
      } else {
      }
      %dma_wait3A_79 = arith.constant 0 : i32
      %dma_wait3A_80 = tpu.memref_slice %arg8[%add3A_61, %dma_wait3A_79] : memref<80x128xi32, #tpu.memory_space<vmem>> -> memref<1x128xi32, #tpu.memory_space<vmem>>
      %dma_wait3A_81 = tpu.memref_squeeze %dma_wait3A_80 : memref<1x128xi32, #tpu.memory_space<vmem>> -> memref<128xi32, #tpu.memory_space<vmem>>
      %dma_wait3A_82 = arith.constant 0 : i32
      %dma_wait3A_83 = arith.constant 0 : i32
      %dma_wait3A_84 = tpu.memref_slice %arg3[%dma_wait3A_82, %dma_wait3A_83] : memref<10000x64xf32, #tpu.memory_space<hbm>> -> memref<10000x64xf32, #tpu.memory_space<hbm>>
      tpu.wait_indirect_dma semaphore(%arg14 : memref<!tpu.dma_semaphore, #tpu.memory_space<semaphore_mem>>) src(%dma_wait3A_84 : memref<10000x64xf32, #tpu.memory_space<hbm>>) dst(%arg11 : memref<128x64xf32, #tpu.memory_space<vmem>>)
      "tpu.region"() ({
        %run_scoped3A_85 = tpu.sem_alloc : memref<!tpu.dma_semaphore, #tpu.memory_space<semaphore_mem>>
        %dma_start3A_86 = arith.constant 0 : i32
        %dma_start3A_87 = tpu.memref_slice %arg9[%add3A_61, %dma_start3A_86] : memref<80x128xi32, #tpu.memory_space<vmem>> -> memref<1x128xi32, #tpu.memory_space<vmem>>
        %dma_start3A_88 = tpu.memref_squeeze %dma_start3A_87 : memref<1x128xi32, #tpu.memory_space<vmem>> -> memref<128xi32, #tpu.memory_space<vmem>>
        %dma_start3A_89 = arith.constant 0 : i32
        %dma_start3A_90 = arith.constant 0 : i32
        %dma_start3A_91 = tpu.memref_slice %arg12[%dma_start3A_89, %dma_start3A_90] : memref<10000x64xf32, #tpu.memory_space<vmem_shared>> -> memref<10000x64xf32, #tpu.memory_space<vmem_shared>>
        tpu.enqueue_indirect_dma source(%arg11 : memref<128x64xf32, #tpu.memory_space<vmem>>) target(%dma_start3A_91 : memref<10000x64xf32, #tpu.memory_space<vmem_shared>>) offsets(%dma_start3A_88 : memref<128xi32, #tpu.memory_space<vmem>>) semaphore(%run_scoped3A_85 : memref<!tpu.dma_semaphore, #tpu.memory_space<semaphore_mem>>) {add = true}
        %dma_wait3A_92 = arith.constant 0 : i32
        %dma_wait3A_93 = tpu.memref_slice %arg9[%add3A_61, %dma_wait3A_92] : memref<80x128xi32, #tpu.memory_space<vmem>> -> memref<1x128xi32, #tpu.memory_space<vmem>>
        %dma_wait3A_94 = tpu.memref_squeeze %dma_wait3A_93 : memref<1x128xi32, #tpu.memory_space<vmem>> -> memref<128xi32, #tpu.memory_space<vmem>>
        %dma_wait3A_95 = arith.constant 0 : i32
        %dma_wait3A_96 = arith.constant 0 : i32
        %dma_wait3A_97 = tpu.memref_slice %arg12[%dma_wait3A_95, %dma_wait3A_96] : memref<10000x64xf32, #tpu.memory_space<vmem_shared>> -> memref<10000x64xf32, #tpu.memory_space<vmem_shared>>
        tpu.wait_indirect_dma semaphore(%run_scoped3A_85 : memref<!tpu.dma_semaphore, #tpu.memory_space<semaphore_mem>>) src(%arg11 : memref<128x64xf32, #tpu.memory_space<vmem>>) dst(%dma_wait3A_97 : memref<10000x64xf32, #tpu.memory_space<vmem_shared>>)
        tpu.yield
      }) : () -> ()
    }
    %scan3A_45 = arith.constant 40 : i32
    %barrier3A_46 = arith.constant 0 : index
    tpu.barrier barrier_id(%barrier3A_46)
    %run_scoped3A_47 = arith.constant 1 : i32
    "tpu.region"() ({
      %run_scoped3A_55 = tpu.sem_alloc : memref<!tpu.dma_semaphore, #tpu.memory_space<semaphore_mem>>
      %dma_start3A_56 = arith.constant 0 : i32
      %dma_start3A_57 = arith.constant 0 : i32
      %dma_start3A_58 = arith.constant 0 : i32
      %dma_start3A_59 = tpu.memref_slice %arg7[%run_scoped3A_47, %dma_start3A_56, %dma_start3A_57, %dma_start3A_58] : memref<2x2x10000x64xf32, #tpu.memory_space<hbm>> -> memref<1x2x10000x64xf32, #tpu.memory_space<hbm>>
      %dma_start3A_60 = tpu.memref_squeeze %dma_start3A_59 : memref<1x2x10000x64xf32, #tpu.memory_space<hbm>> -> memref<2x10000x64xf32, #tpu.memory_space<hbm>>
      %dma_start3A_61 = arith.constant 0 : i32
      %dma_start3A_62 = tpu.memref_slice %dma_start3A_60[%arg0, %multiple_of3A_26, %dma_start3A_61] : memref<2x10000x64xf32, #tpu.memory_space<hbm>> -> memref<1x624x64xf32, #tpu.memory_space<hbm>>
      %dma_start3A_63 = tpu.memref_squeeze %dma_start3A_62 : memref<1x624x64xf32, #tpu.memory_space<hbm>> -> memref<624x64xf32, #tpu.memory_space<hbm>>
      %dma_start3A_64 = arith.constant 0 : i32
      %dma_start3A_65 = tpu.memref_slice %arg12[%multiple_of3A_26, %dma_start3A_64] : memref<10000x64xf32, #tpu.memory_space<vmem_shared>> -> memref<624x64xf32, #tpu.memory_space<vmem_shared>>
      tpu.enqueue_dma source(%dma_start3A_65 : memref<624x64xf32, #tpu.memory_space<vmem_shared>>) target(%dma_start3A_63 : memref<624x64xf32, #tpu.memory_space<hbm>>) target_semaphore(%run_scoped3A_55 : memref<!tpu.dma_semaphore, #tpu.memory_space<semaphore_mem>>)
      %dma_wait3A = arith.constant 0 : i32
      %dma_wait3A_66 = arith.constant 0 : i32
      %dma_wait3A_67 = arith.constant 0 : i32
      %dma_wait3A_68 = tpu.memref_slice %arg7[%run_scoped3A_47, %dma_wait3A, %dma_wait3A_66, %dma_wait3A_67] : memref<2x2x10000x64xf32, #tpu.memory_space<hbm>> -> memref<1x2x10000x64xf32, #tpu.memory_space<hbm>>
      %dma_wait3A_69 = tpu.memref_squeeze %dma_wait3A_68 : memref<1x2x10000x64xf32, #tpu.memory_space<hbm>> -> memref<2x10000x64xf32, #tpu.memory_space<hbm>>
      %dma_wait3A_70 = arith.constant 0 : i32
      %dma_wait3A_71 = tpu.memref_slice %dma_wait3A_69[%arg0, %multiple_of3A_26, %dma_wait3A_70] : memref<2x10000x64xf32, #tpu.memory_space<hbm>> -> memref<1x624x64xf32, #tpu.memory_space<hbm>>
      %dma_wait3A_72 = tpu.memref_squeeze %dma_wait3A_71 : memref<1x624x64xf32, #tpu.memory_space<hbm>> -> memref<624x64xf32, #tpu.memory_space<hbm>>
      %dma_wait3A_73 = arith.constant 0 : i32
      %dma_wait3A_74 = tpu.memref_slice %arg12[%multiple_of3A_26, %dma_wait3A_73] : memref<10000x64xf32, #tpu.memory_space<vmem_shared>> -> memref<624x64xf32, #tpu.memory_space<vmem_shared>>
      tpu.wait_dma2 semaphore(%run_scoped3A_55 : memref<!tpu.dma_semaphore, #tpu.memory_space<semaphore_mem>>) src(%dma_wait3A_74 : memref<624x64xf32, #tpu.memory_space<vmem_shared>>) dst(%dma_wait3A_72 : memref<624x64xf32, #tpu.memory_space<hbm>>)
      tpu.yield
    }) : () -> ()
    %eq3A_48 = arith.constant 15 : i32
    %eq3A_49 = arith.cmpi eq, %arg1, %eq3A_48 : i32
    %convert_element_type3A_50 = arith.extui %eq3A_49 : i1 to i32
    %cond3A_51 = arith.constant 1 : i32
    %cond3A_52 = arith.constant 0 : i32
    %cond3A_53 = arith.cmpi ne, %convert_element_type3A_50, %cond3A_52 : i32
    scf.if %cond3A_53 {
      "tpu.region"() ({
        %run_scoped3A_55 = tpu.sem_alloc : memref<!tpu.dma_semaphore, #tpu.memory_space<semaphore_mem>>
        %dma_start3A_56 = arith.constant 0 : i32
        %dma_start3A_57 = arith.constant 0 : i32
        %dma_start3A_58 = arith.constant 0 : i32
        %dma_start3A_59 = tpu.memref_slice %arg7[%cond3A_51, %dma_start3A_56, %dma_start3A_57, %dma_start3A_58] : memref<2x2x10000x64xf32, #tpu.memory_space<hbm>> -> memref<1x2x10000x64xf32, #tpu.memory_space<hbm>>
        %dma_start3A_60 = tpu.memref_squeeze %dma_start3A_59 : memref<1x2x10000x64xf32, #tpu.memory_space<hbm>> -> memref<2x10000x64xf32, #tpu.memory_space<hbm>>
        %dma_start3A_61 = arith.constant 9984 : i32
        %dma_start3A_62 = arith.constant 0 : i32
        %dma_start3A_63 = tpu.memref_slice %dma_start3A_60[%arg0, %dma_start3A_61, %dma_start3A_62] : memref<2x10000x64xf32, #tpu.memory_space<hbm>> -> memref<1x16x64xf32, #tpu.memory_space<hbm>>
        %dma_start3A_64 = tpu.memref_squeeze %dma_start3A_63 : memref<1x16x64xf32, #tpu.memory_space<hbm>> -> memref<16x64xf32, #tpu.memory_space<hbm>>
        %dma_start3A_65 = arith.constant 9984 : i32
        %dma_start3A_66 = arith.constant 0 : i32
        %dma_start3A_67 = tpu.memref_slice %arg12[%dma_start3A_65, %dma_start3A_66] : memref<10000x64xf32, #tpu.memory_space<vmem_shared>> -> memref<16x64xf32, #tpu.memory_space<vmem_shared>>
        tpu.enqueue_dma source(%dma_start3A_67 : memref<16x64xf32, #tpu.memory_space<vmem_shared>>) target(%dma_start3A_64 : memref<16x64xf32, #tpu.memory_space<hbm>>) target_semaphore(%run_scoped3A_55 : memref<!tpu.dma_semaphore, #tpu.memory_space<semaphore_mem>>)
        %dma_wait3A = arith.constant 0 : i32
        %dma_wait3A_68 = arith.constant 0 : i32
        %dma_wait3A_69 = arith.constant 0 : i32
        %dma_wait3A_70 = tpu.memref_slice %arg7[%cond3A_51, %dma_wait3A, %dma_wait3A_68, %dma_wait3A_69] : memref<2x2x10000x64xf32, #tpu.memory_space<hbm>> -> memref<1x2x10000x64xf32, #tpu.memory_space<hbm>>
        %dma_wait3A_71 = tpu.memref_squeeze %dma_wait3A_70 : memref<1x2x10000x64xf32, #tpu.memory_space<hbm>> -> memref<2x10000x64xf32, #tpu.memory_space<hbm>>
        %dma_wait3A_72 = arith.constant 9984 : i32
        %dma_wait3A_73 = arith.constant 0 : i32
        %dma_wait3A_74 = tpu.memref_slice %dma_wait3A_71[%arg0, %dma_wait3A_72, %dma_wait3A_73] : memref<2x10000x64xf32, #tpu.memory_space<hbm>> -> memref<1x16x64xf32, #tpu.memory_space<hbm>>
        %dma_wait3A_75 = tpu.memref_squeeze %dma_wait3A_74 : memref<1x16x64xf32, #tpu.memory_space<hbm>> -> memref<16x64xf32, #tpu.memory_space<hbm>>
        %dma_wait3A_76 = arith.constant 9984 : i32
        %dma_wait3A_77 = arith.constant 0 : i32
        %dma_wait3A_78 = tpu.memref_slice %arg12[%dma_wait3A_76, %dma_wait3A_77] : memref<10000x64xf32, #tpu.memory_space<vmem_shared>> -> memref<16x64xf32, #tpu.memory_space<vmem_shared>>
        tpu.wait_dma2 semaphore(%run_scoped3A_55 : memref<!tpu.dma_semaphore, #tpu.memory_space<semaphore_mem>>) src(%dma_wait3A_78 : memref<16x64xf32, #tpu.memory_space<vmem_shared>>) dst(%dma_wait3A_75 : memref<16x64xf32, #tpu.memory_space<hbm>>)
        tpu.yield
      }) : () -> ()
    } else {
    }
    %barrier3A_54 = arith.constant 0 : index
    tpu.barrier barrier_id(%barrier3A_54)
    return
  }
}

</mosaic_0001>

<sc_bundles>
// kernel: _sc_aggregate.3.cloned.1.call-start
scs
__scs_entry_jumppad:
0x0: {  	(pc) =	sbr.rel $0x88, $3  }
0x1: {  	(tag) =	ssettag $0x0;
	lr =	simm.s32 $0x1  }
0x2: {  	[smem:$0x3F9C] =	sst lr;
	_ =	strace $0xD0000000  }
0x3: {  	_ = 	snop  }
0x4: {  	_ = 	snop  }
0x5: {  	_ = 	snop  }
0x6: {  	_ = 	snop  }
0x7: {  	_ = 	snop  }
__scs_overlays_trampoline_lowered:
0x8: {  	[smem:$0x3FAB] =	sst s0  }
0x9: {  	[smem:$0x3FAC] =	sst s1  }
0xa: {  	[smem:$0x3FAD] =	sst s2  }
0xb: {  	[smem:$0x3FAE] =	sst s3  }
0xc: {  	[smem:$0x3FAF] =	sst s4  }
0xd: {  	[smem:$0x3FB0] =	sst s5  }
0xe: {  	[smem:$0x3FB1] =	sst s6  }
0xf: {  	[smem:$0x3FB2] =	sst s7  }
0x10: {  	[smem:$0x3FB3] =	sst s8  }
0x11: {  	[smem:$0x3FB4] =	sst s9;
	s0 =	simm.s32 @!p0 $0x0  }
0x12: {  	s1 =	sld [smem:$0x3F9A];
	s0 =	simm.s32 @p0 $0x1  }
0x13: {  	[smem:$0x3FB5] =	sst s0;
	s0 =	simm.s32 @!p1 $0x0  }
0x14: {  	s2 =	sld [smem:$0x3F99];
	s0 =	simm.s32 @p1 $0x1  }
0x15: {  	[smem:$0x3FB6] =	sst s0;
	s0 =	simm.s32 @!p2 $0x0  }
0x16: {  	s3 =	sld [smem:$0x3FDB];
	s0 =	simm.s32 @p2 $0x1  }
0x17: {  	s4 =	simm.s32 $0x1BF5;
	[smem:$0x3FB8] =	sst s0  }
0x18: {  	s0 =	sld [smem:$0x3F9B];
	_ =	swait.ge [sflag:s4], $0x0  }
0x19: {  	s7 =	sld [smem:$0x3F9C]  }
0x1a: {  	s8 =	sadd.s32 $0xFFFFE003, lr  }
0x1b: {  	s9 =	sadd.s32 $0xFFFFFEF7, lr;
	s5 =	simm.s32 $0xFFFFFFFF;
	p2 =	slt.u32 s8, $0xFFFFF086  }
0x1c: {  	p1 =	slt.u32 s9, $0xF7A;
	s5 =	simm.s32 @!p2 $0x0  }
0x1d: {  	s5 =	simm.s32 @p1 $0x1;
	p0 =	seq.s32 s7, s2  }
0x1e: {  	s7 =	smul.u32 @!p0 $0xF7A, s2;
	p2 =	seq.s32 @!p0 s5, $0x0  }
0x1f: {  	s9 =	smul.u32 $0xF7A, s1;
	s8 =	simm.s32 @!p0 $0x1BF5;
	p2 =	por !p2, p0  }
0x20: {  	[sflag:s8] =	ssyncset.s32 @!p0 $0xFFFFF086;
	s6 =	sadd.s32 @!p0 s3, s7;
	s7 =	simm.s32 @!p0 $0x108  }
0x21: {  	s3 =	sadd.s32 s3, s9;
	s6 =	sadd.s32 @!p0 $0x88, s6;
	s7 =	simm.s32 @p2 $0x1082  }
0x22: {  	[simem:s7], [sflag:s8] =	dma.local @!p0 [hbm:s6], $0xF7A  }
0x23: {  	s9 =	sor.u32 $0xD0000000, s2;
	s6 =	simm.s32 $0x108;
	_ =	swait.ge @!p0 [sflag:s8], $0x0  }
0x24: {  	s3 =	sadd.s32 $0x88, s3;
	s6 =	simm.s32 @!p1 $0x1082;
	[sflag:s4] =	ssyncset.s32 $0xFFFFF086  }
0x25: {  	[simem:s6], [sflag:s4] =	dma.local [hbm:s3], $0xF7A  }
0x26: {  	[smem:$0x3F9C] =	sst s1;
	(tag) =	ssettag s2;
	_ =	strace s9  }
0x27: {  	s1 =	sld [smem:$0x3FAC]  }
0x28: {  	s2 =	sld [smem:$0x3FAD]  }
0x29: {  	s4 =	sld [smem:$0x3FAF]  }
0x2a: {  	p0 =	seq.s32 s5, $0x0;
	s5 =	sld [smem:$0x3FB0]  }
0x2b: {  	s6 =	sld [smem:$0x3FB1]  }
0x2c: {  	s7 =	sld [smem:$0x3FB2]  }
0x2d: {  	s3 =	simm.s32 $0x108;
	s8 =	sld [smem:$0x3FB3]  }
0x2e: {  	s3 =	simm.s32 @!p0 $0x1082;
	s9 =	sld [smem:$0x3FB4]  }
0x2f: {  	lr =	sadd.s32 s0, s3;
	s0 =	sld [smem:$0x3FAB]  }
0x30: {  	s3 =	sld [smem:$0x3FAE]  }
0x31: {  	[smem:$0x3FB7] =	sst s10  }
0x32: {  	s10 =	sld [smem:$0x3FB5];
	_ =	sdelay $0x3  }
0x33: {  	p0 =	seq.s32 s10, $0x1;
	s10 =	sld [smem:$0x3FB7];
	_ =	sdelay $0x3  }
0x34: {  	[smem:$0x3FB7] =	sst s10  }
0x35: {  	s10 =	sld [smem:$0x3FB6];
	_ =	sdelay $0x3  }
0x36: {  	p1 =	seq.s32 s10, $0x1;
	s10 =	sld [smem:$0x3FB7];
	_ =	sdelay $0x3  }
0x37: {  	[smem:$0x3FB7] =	sst s10  }
0x38: {  	s10 =	sld [smem:$0x3FB8]  }
0x39: {  	_ = 	snop;
	(pc) =	sbr.ind lr, $3  }
0x3a: {  	_ = 	snop  }
0x3b: {  	_ = 	snop  }
0x3c: {  	p2 =	seq.s32 s10, $0x1;
	s10 =	sld [smem:$0x3FB7]  }
0x3d: {  	_ =	shalt  }
0x3e: {  	_ =	shalt  }
0x3f: {  	_ =	shalt  }
0x40: {  	_ =	shalt  }
0x41: {  	_ =	shalt  }
0x42: {  	_ =	shalt  }
0x43: {  	_ =	shalt  }
0x44: {  	_ =	shalt  }
0x45: {  	_ =	shalt  }
0x46: {  	_ =	shalt  }
0x47: {  	_ =	shalt  }
0x48: {  	_ =	shalt  }
0x49: {  	_ =	shalt  }
0x4a: {  	_ =	shalt  }
0x4b: {  	_ =	shalt  }
0x4c: {  	_ =	shalt  }
0x4d: {  	_ =	shalt  }
0x4e: {  	_ =	shalt  }
0x4f: {  	_ =	shalt  }
0x50: {  	_ =	shalt  }
0x51: {  	_ =	shalt  }
0x52: {  	_ =	shalt  }
0x53: {  	_ =	shalt  }
0x54: {  	_ =	shalt  }
0x55: {  	_ =	shalt  }
0x56: {  	_ =	shalt  }
0x57: {  	_ =	shalt  }
0x58: {  	_ =	shalt  }
0x59: {  	_ =	shalt  }
0x5a: {  	_ =	shalt  }
0x5b: {  	_ =	shalt  }
0x5c: {  	_ =	shalt  }
0x5d: {  	_ =	shalt  }
0x5e: {  	_ =	shalt  }
0x5f: {  	_ =	shalt  }
0x60: {  	_ =	shalt  }
0x61: {  	_ =	shalt  }
0x62: {  	_ =	shalt  }
0x63: {  	_ =	shalt  }
0x64: {  	_ =	shalt  }
0x65: {  	_ =	shalt  }
0x66: {  	_ =	shalt  }
0x67: {  	_ =	shalt  }
0x68: {  	_ =	shalt  }
0x69: {  	_ =	shalt  }
0x6a: {  	_ =	shalt  }
0x6b: {  	_ =	shalt  }
0x6c: {  	_ =	shalt  }
0x6d: {  	_ =	shalt  }
0x6e: {  	_ =	shalt  }
0x6f: {  	_ =	shalt  }
0x70: {  	_ =	shalt  }
0x71: {  	_ =	shalt  }
0x72: {  	_ =	shalt  }
0x73: {  	_ =	shalt  }
0x74: {  	_ =	shalt  }
0x75: {  	_ =	shalt  }
0x76: {  	_ =	shalt  }
0x77: {  	_ =	shalt  }
0x78: {  	_ =	shalt  }
0x79: {  	_ =	shalt  }
0x7a: {  	_ =	shalt  }
0x7b: {  	_ =	shalt  }
0x7c: {  	_ =	shalt  }
0x7d: {  	_ =	shalt  }
0x7e: {  	_ =	shalt  }
0x7f: {  	_ =	shalt  }
0x80: {  	_ =	shalt  }
0x81: {  	_ =	shalt  }
0x82: {  	_ =	shalt  }
0x83: {  	_ =	shalt  }
0x84: {  	_ =	shalt  }
0x85: {  	_ =	shalt  }
0x86: {  	_ =	shalt  }
0x87: {  	_ =	shalt  }
.Lfunc_end0:
.L_simem_size_0:
called_computation_lowered:
.L_overlay_start_0:
0x88: {  	s2 =	sld [smem:$0x3FD9]  }
0x89: {  	s3 =	sld [smem:$0x3FFE];
	_ =	sdelay $0x1  }
0x8a: {  	s1 =	srdreg.scid  }
0x8b: {  	s0 =	sand.u32 $0x1, s1  }
0x8c: {  	s17 =	sshll.u32 s0, $0xA;
	s2 =	sadd.s32 s3, s2  }
0x8d: {  	s2 =	sadd.s32 s2, s17  }
0x8e: {  	[smem:$0x3FC3] =	sst s2  }
0x8f: {  	_ = 	snop  }
0x90: {  	s2 =	sld [smem:$0x3FC7]  }
0x91: {  	s18 =	sld [smem:$0x3FC6]  }
0x92: {  	s4 =	sld [smem:$0x3FD0];
	(tm) =	ssettm $0x1  }
0x93: {  	s5 =	sld [smem:$0x3FFB];
	_ =	sdelay $0x3  }
0x94: {  	_ =	strace s5  }
0x95: {  	s5 =	sld [smem:$0x3FFC];
	_ =	sdelay $0x3  }
0x96: {  	_ =	strace s5  }
0x97: {  	s5 =	sld [smem:$0x3FFD];
	_ =	sdelay $0x3  }
0x98: {  	_ =	strace s5  }
0x99: {  	_ =	strace $0x8FFFFFFF  }
0x9a: {  	s19 =	sld [smem:$0x3FDB];
	_ =	sdelay $0x1  }
0x9b: {  	s6 =	simm.s32 $_scs_section_size  }
0x9c: {  	s7 =	simm.s32 $_size__tile_overlayer_lowered;
	s8 =	simm.s32 $_tile_overlayer_lowered  }
0x9d: {  	s22 =	simm.s32 $0x1BFF;
	s21 =	sshll.u32 s8, $0x1;
	s5 =	sadd.s32 s6, s19  }
0x9e: {  	s9 =	simm.s32 $0x0;
	s20 =	sshll.u32 s7, $0x1;
	s7 =	sadd.s32 s21, s5  }
0x9f: {  	[timem:s9], [sflag:s22] =	dma.local [hbm:s7], s20  }
0xa0: {  	_ =	swait.ge [sflag:s22], s20  }
0xa1: {  	s6 =	ssub.s32 $0x0, s20;
	[sflag:s22] =	ssyncset.done $0x0  }
0xa2: {  	[sflag:s22] =	ssyncadd.s32 s6;
	_ =	sdelay $0x1  }
0xa3: {  	s23 =	simm.s32 $0x1B8B  }
0xa4: {  	_ =	swait.ge [sflag:s23], $0x1  }
0xa5: {  	[sflag:s23] =	ssyncset.done $0x0  }
0xa6: {  	s25 =	simm.s32 $0x1B8E;
	s24 =	sld [smem:$0x3FFE];
	[sflag:s23] =	ssyncadd.s32 $0xFFFFFFFF  }
0xa7: {  	s26 =	simm.s32 $execute0_lowered;
	[smem:$0x3FD2] =	sst s25  }
0xa8: {  	s7 =	sshll.u32 s26, $0x1;
	_ =	strace $0x80000046;
	[dreg:$0x1] =	wrdreg $0xFFFFFFFF  }
0xa9: {  	s28 =	simm.s32 $_size_execute0_lowered;
	s5 =	sadd.s32 s5, s7;
	[dreg:$0x0] =	wrdreg $0x0  }
0xaa: {  	s7 =	sshll.u32 s28, $0x1;
	[dreg:$0x2] =	wrdreg s5  }
0xab: {  	[dreg:$0x3] =	wrdreg s7  }
0xac: {  	[dreg:$0x4] =	wrdreg $0xC0  }
0xad: {  	_ =	task [dreg:s9], $0x5FFFF  }
0xae: {  	[dreg:$0x1] =	wrdreg $0xFFFFFFFF  }
0xaf: {  	[dreg:$0x0] =	wrdreg $0x60  }
0xb0: {  	[dreg:$0x2] =	wrdreg s24  }
0xb1: {  	[dreg:$0x3] =	wrdreg s2  }
0xb2: {  	[dreg:$0x4] =	wrdreg s18  }
0xb3: {  	[dreg:$0x5] =	wrdreg s4  }
0xb4: {  	[dreg:$0x6] =	wrdreg $0x90000  }
0xb5: {  	[dreg:$0x7] =	wrdreg $0x9  }
0xb6: {  	_ =	task.clear_ibuf [dreg:s9], $0x8FFFF;
	_ =	strace $0x90000046  }
0xb7: {  	s29 =	simm.s32 $0x9;
	_ =	strace $0x80000048  }
0xb8: {  	_ =	swait.ge [sflag:s29], $0x1  }
0xb9: {  	[sflag:s29] =	ssyncadd.s32 $0xFFFFFFFF  }
0xba: {  	_ =	strace $0x90000048  }
0xbb: {  	_ =	sfence  }
0xbc: {  	s30 =	sld [smem:$0x0];
	_ =	sdelay $0x2  }
0xbd: {  	s31 =	sshll.u32 s1, $0xD;
	s1 =	sshrl.u32 s1, $0x2  }
0xbe: {  	s3 =	sand.u32 $0x4000, s31;
	s1 =	sadd.s32 s1, s30  }
0xbf: {  	s0 =	sor.u32 s3, s0;
	s1 =	sshll.u32 s1, $0x11  }
0xc0: {  	s0 =	sor.u32 s1, s0  }
0xc1: {  	s0 =	sadd.s32 $0x8F2B, s0  }
0xc2: {  	[sflag:s0] =	ssyncadd.remote.s32 $0x1  }
0xc3: {  	_ =	sfence.sel $0xFFFF  }
0xc4: {  	[dreg:$0x0] =	wrdreg $0xFFFFFFFF;
	(pc) =	sbr.abs _section_cstart, $3  }
0xc5: {  	[dreg:$0x1] =	wrdreg $0xFFFFFFFF  }
0xc6: {  	_ =	task.clear_ibuf [dreg:s9], $0x2FFFF;
	_ =	strace $0x9FFFFFFF  }
0xc7: {  	(tm) =	ssettm $0x7FFFFFFF  }
tec
execute0_lowered:
.L_overlay_start_1:
0x0: {  	(tag) =	ssettag $0x1  }
0x1: {  	s0 =	rddreg [dreg:$0x0]  }
0x2: {  	s2 =	rddreg [dreg:$0x1]  }
0x3: {  	s7 =	rddreg [dreg:$0x2]  }
0x4: {  	s15 =	rddreg [dreg:$0x3]  }
0x5: {  	s1 =	rddreg [dreg:$0x4];
	s3 =	simm.s32 $0x0  }
0x6: {  	s18 =	stileid.u32;
	s5 =	srdreg.scid;
	s17 =	simm.s32 $0x3  }
0x7: {  	s28 =	simm.s32 $0x2780;
	s29 =	simm.s32 $0x4F00;
	s30 =	simm.s32 $0x4F80  }
0x8: {  	s31 =	simm.s32 $0x0;
	[smem:$0x7FF] =	sst s3;
	s4 =	sadd.s32 $0x800, s0  }
0x9: {  	s10 =	smul.u32 $0x9C00, s18;
	s6 =	sand.u32 $0x1, s5;
	s8 =	sshll.u32 s18, $0x1  }
0xa: {  	s5 =	sadd.s32 $0x14200, s0;
	s21 =	sadd.s32 $0x9C000, s1;
	p0 =	sne.s32 s18, $0xF  }
0xb: {  	s26 =	sshll.u32 s18, $0x6;
	_ =	strace $0x80000047;
	s9 =	ssub.s32 $0x2, s6  }
0xc: {  	s8 =	sor.u32 s6, s8;
	s22 =	smul.u32 $0x9C400, s6;
	s19 =	sor.u32 $0x1C03, s26  }
0xd: {  	s21 =	sshrl.u32 @!p0 s21, $0x3;
	s26 =	simm.s32 $0x2;
	s11 =	sshrl.u32 s10, $0x3  }
0xe: {  	s12 =	sshrl.u32 s9, $0x1;
	s8 =	smul.u32 $0x500, s8;
	s11 =	sadd.s32 s11, s0  }
0xf: {  	s16 =	ssub.s32 s9, s12;
	s24 =	sadd.s32 s10, s22;
	s25 =	sshrl.u32 s22, $0x3  }
0x10: {  	s12 =	sadd.s32 $0x3B400, s0;
	s22 =	simm.s32 $0x80;
	s2 =	sadd.s32 s2, s8  }
0x11: {  	s23 =	sadd.s32 s7, s8;
	s8 =	sadd.s32 s10, s1;
	s9 =	sadd.s32 $0x27C00, s11  }
0x12: {  	s10 =	sshrl.u32 s24, $0x3;
	s11 =	sadd.s32 $0x13800, s25;
	s16 =	smax.u32 s16, $0x1  }
0x13: {  	s24 =	simm.s32 $0x7000;
	s25 =	simm.s32 $0x1;
	[dreg:$0x6] =	wrdreg s2  }
0x14: {  	[dreg:$0x7] =	wrdreg s23;
	s13 =	sadd.s32 s15, s10;
	s14 =	sadd.s32 s15, s11  }
0x15: {  	s15 =	sadd.s32 $0x27100, s15;
	s20 =	sshrl.u32 s8, $0x3;
	s23 =	simm.s32 $0x5000  }
.LBB2_1:
0x16: {  	s0 =	rddreg [dreg:$0x6]  }
0x17: {  	[tilespmem:s3], [sflag:$0x3] =	stream.linear.gather [hbm4b:s0+s3], $0x2800, $0x38;
	[tilespmem:$0x12C40] =	vst v63  }
0x18: {  	_ =	swait.ge [sflag:s17], $0x2800  }
0x19: {  	[sflag:s17] =	ssyncset.done $0x0  }
0x1a: {  	s2 =	simm.s32 $0x2800;
	s18 =	rddreg [dreg:$0x7];
	[sflag:s17] =	ssyncadd.s32 $0xFFFFD800  }
0x1b: {  	[tilespmem:s2], [sflag:$0x3] =	stream.linear.gather [hbm4b:s18+s3], $0x2800, $0x38;
	[tilespmem:$0x12C40] =	vst v63  }
0x1c: {  	_ =	swait.ge [sflag:s17], $0x2800  }
0x1d: {  	[sflag:s17] =	ssyncset.done $0x0  }
0x1e: {  	[sflag:s17] =	ssyncadd.s32 $0xFFFFD800  }
0x1f: {  	[spmem:s20], [sflag:s19] =	dma.local [hbm:s9], $0x1380  }
0x20: {  	_ =	swait.ge [sflag:s17], $0x1380  }
0x21: {  	[sflag:s17] =	ssyncset.done $0x0  }
0x22: {  	s0 =	simm.s32 @!p0 $0x3;
	[sflag:s17] =	ssyncadd.s32 $0xFFFFEC80  }
0x23: {  	[spmem:s21], [sflag:s19] =	dma.local @!p0 [hbm:s12], $0x80  }
0x24: {  	_ =	swait.ge @!p0 [sflag:s0], $0x80  }
0x25: {  	[sflag:s0] =	ssyncset.done @!p0 $0x0  }
0x26: {  	[sflag:s0] =	ssyncadd.s32 @!p0 $0xFFFFFF80  }
0x27: {  	[bflag:$0x0] =	sbarrier.arrive $0xFFFF  }
0x28: {  	[tilespmem:s23], [sflag:$0x1] =	stream.indirect.gather [hbm4b:s4+s22], $0x40, s3, s22, $0xb8;
	[tilespmem:$0x12C40] =	vst v63  }
0x29: {  	s2 =	simm.s32 $0x80  }
0x2a: {  	[tilespmem:s24], [sflag:$0x2] =	stream.indirect.gather [hbm4b:s4+s22], $0x40, s2, s22, $0xb8;
	[tilespmem:$0x12C40] =	vst v63  }
0x2b: {  	_ =	swait.ge [sflag:s25], $0x2000  }
0x2c: {  	[sflag:s25] =	ssyncset.done $0x0  }
0x2d: {  	s6 =	simm.s32 $0x2800;
	[sflag:s25] =	ssyncadd.s32 $0xFFFFE000  }
0x2e: {  	[spmem:s1] =	stream.indirect.scatter.add.f32 [tilespmem:s23], [sflag:$0x3], $0x40, s6, s22, $0xb8;
	[tilespmem:$0x12C40] =	vst v63  }
0x2f: {  	_ =	swait.ge [sflag:s17], $0x2000  }
0x30: {  	[sflag:s17] =	ssyncset.done $0x0  }
0x31: {  	s7 =	simm.s32 $0x100;
	[sflag:s17] =	ssyncadd.s32 $0xFFFFE000  }
0x32: {  	[tilespmem:s23], [sflag:$0x1] =	stream.indirect.gather [hbm4b:s4+s22], $0x40, s7, s22, $0xb8;
	[tilespmem:$0x12C40] =	vst v63  }
0x33: {  	_ =	swait.ge [sflag:s26], $0x2000  }
0x34: {  	[sflag:s26] =	ssyncset.done $0x0  }
0x35: {  	s18 =	simm.s32 $0x2880;
	[sflag:s26] =	ssyncadd.s32 $0xFFFFE000  }
0x36: {  	[spmem:s1] =	stream.indirect.scatter.add.f32 [tilespmem:s24], [sflag:$0x3], $0x40, s18, s22, $0xb8;
	[tilespmem:$0x12C40] =	vst v63  }
0x37: {  	_ =	swait.ge [sflag:s17], $0x2000  }
0x38: {  	s0 =	simm.s32 $0x100;
	s2 =	simm.s32 $0x800;
	[sflag:s17] =	ssyncset.done $0x0  }
.LBB2_2:
0x39: {  	s18 =	sadd.s32 $0x80, s0  }
0x3a: {  	[sflag:s17] =	ssyncadd.s32 $0xFFFFE000;
	s6 =	smov.u32 s2;
	s7 =	sadd.s32 $0x400, s2  }
0x3b: {  	[tilespmem:s24], [sflag:$0x2] =	stream.indirect.gather [hbm4b:s4+s22], $0x40, s18, s22, $0xb8;
	[tilespmem:$0x12C40] =	vst v63  }
0x3c: {  	p1 =	sne.s32 s2, $0x9800;
	_ =	swait.ge [sflag:s25], $0x2000  }
0x3d: {  	[sflag:s25] =	ssyncset.done $0x0  }
0x3e: {  	s2 =	sadd.s32 $0x2800, s0;
	[sflag:s25] =	ssyncadd.s32 $0xFFFFE000  }
0x3f: {  	[spmem:s1] =	stream.indirect.scatter.add.f32 [tilespmem:s23], [sflag:$0x3], $0x40, s2, s22, $0xb8;
	[tilespmem:$0x12C40] =	vst v63  }
0x40: {  	_ =	swait.ge [sflag:s17], $0x2000  }
0x41: {  	[sflag:s17] =	ssyncset.done $0x0  }
0x42: {  	s2 =	sadd.s32 $0x100, s0;
	[sflag:s17] =	ssyncadd.s32 $0xFFFFE000  }
0x43: {  	[tilespmem:s23], [sflag:$0x1] =	stream.indirect.gather [hbm4b:s4+s22], $0x40, s2, s22, $0xb8;
	[tilespmem:$0x12C40] =	vst v63  }
0x44: {  	_ =	swait.ge [sflag:s26], $0x2000  }
.Ltmp0:
0x45: {  	[sflag:s26] =	ssyncset.done $0x0;
	(pc) =	sbr.rel @p1 .LBB2_2-.Ltmp0, $4  }
0x46: {  	s0 =	sadd.s32 $0x2880, s0;
	[sflag:s26] =	ssyncadd.s32 $0xFFFFE000  }
0x47: {  	[spmem:s1] =	stream.indirect.scatter.add.f32 [tilespmem:s24], [sflag:$0x3], $0x40, s0, s22, $0xb8;
	[tilespmem:$0x12C40] =	vst v63  }
0x48: {  	_ =	swait.ge [sflag:s17], $0x2000  }
0x49: {  	s2 =	smov.u32 s7;
	s0 =	sshra.s32 s6, $0x2;
	[sflag:s17] =	ssyncset.done $0x0  }
0x4a: {  	s2 =	sadd.s32 $0x80, s0;
	[sflag:s17] =	ssyncadd.s32 $0xFFFFE000  }
0x4b: {  	[tilespmem:s24], [sflag:$0x2] =	stream.indirect.gather [hbm4b:s4+s22], $0x40, s2, s22, $0xb8;
	[tilespmem:$0x12C40] =	vst v63  }
0x4c: {  	_ =	swait.ge [sflag:s25], $0x2000  }
0x4d: {  	[sflag:s25] =	ssyncset.done $0x0  }
0x4e: {  	s18 =	sadd.s32 $0x2800, s0;
	[sflag:s25] =	ssyncadd.s32 $0xFFFFE000  }
0x4f: {  	[spmem:s1] =	stream.indirect.scatter.add.f32 [tilespmem:s23], [sflag:$0x3], $0x40, s18, s22, $0xb8;
	[tilespmem:$0x12C40] =	vst v63  }
0x50: {  	_ =	swait.ge [sflag:s17], $0x2000  }
0x51: {  	[sflag:s17] =	ssyncset.done $0x0  }
0x52: {  	s6 =	sadd.s32 $0x100, s0;
	[sflag:s17] =	ssyncadd.s32 $0xFFFFE000  }
0x53: {  	[tilespmem:s23], [sflag:$0x1] =	stream.indirect.gather [hbm4b:s4+s22], $0x40, s6, s22, $0xb8;
	[tilespmem:$0x12C40] =	vst v63  }
0x54: {  	_ =	swait.ge [sflag:s26], $0x2000  }
0x55: {  	[sflag:s26] =	ssyncset.done $0x0  }
0x56: {  	s7 =	sadd.s32 $0x2880, s0;
	[sflag:s26] =	ssyncadd.s32 $0xFFFFE000  }
0x57: {  	[spmem:s1] =	stream.indirect.scatter.add.f32 [tilespmem:s24], [sflag:$0x3], $0x40, s7, s22, $0xb8;
	[tilespmem:$0x12C40] =	vst v63  }
0x58: {  	_ =	swait.ge [sflag:s17], $0x2000  }
0x59: {  	[sflag:s17] =	ssyncset.done $0x0  }
0x5a: {  	[sflag:s17] =	ssyncadd.s32 $0xFFFFE000  }
0x5b: {  	[tilespmem:s24], [sflag:$0x2] =	stream.indirect.gather [hbm4b:s4+s22], $0x40, s28, s22, $0xb8;
	[tilespmem:$0x12C40] =	vst v63  }
0x5c: {  	_ =	swait.ge [sflag:s25], $0x2000  }
0x5d: {  	[sflag:s25] =	ssyncset.done $0x0  }
0x5e: {  	[sflag:s25] =	ssyncadd.s32 $0xFFFFE000  }
0x5f: {  	[spmem:s1] =	stream.indirect.scatter.add.f32 [tilespmem:s23], [sflag:$0x3], $0x40, s29, s22, $0xb8;
	[tilespmem:$0x12C40] =	vst v63  }
0x60: {  	_ =	swait.ge [sflag:s17], $0x2000  }
0x61: {  	[sflag:s17] =	ssyncset.done $0x0  }
0x62: {  	[sflag:s17] =	ssyncadd.s32 $0xFFFFE000  }
0x63: {  	_ =	swait.ge [sflag:s26], $0x2000  }
0x64: {  	[sflag:s26] =	ssyncset.done $0x0  }
0x65: {  	[sflag:s26] =	ssyncadd.s32 $0xFFFFE000  }
0x66: {  	[spmem:s1] =	stream.indirect.scatter.add.f32 [tilespmem:s24], [sflag:$0x3], $0x40, s30, s22, $0xb8;
	[tilespmem:$0x12C40] =	vst v63  }
0x67: {  	_ =	swait.ge [sflag:s17], $0x2000  }
0x68: {  	[sflag:s17] =	ssyncset.done $0x0  }
0x69: {  	[sflag:s17] =	ssyncadd.s32 $0xFFFFE000  }
0x6a: {  	[bflag:$0x0] =	sbarrier.arrive $0xFFFF  }
0x6b: {  	[hbm:s13], [sflag:s19] =	dma.local [spmem:s20], $0x1380  }
0x6c: {  	_ =	swait.ge [sflag:s17], $0x1380  }
0x6d: {  	[sflag:s17] =	ssyncset.done $0x0  }
0x6e: {  	[sflag:s17] =	ssyncadd.s32 $0xFFFFEC80  }
0x6f: {  	s0 =	sshrl.u32 @p0 s8, $0x3;
	[bflag:$0x0] =	sbarrier.arrive @p0 $0xFFFF  }
0x70: {  	[spmem:s0], [sflag:s19] =	dma.local @p0 [hbm:s9], $0x1380  }
0x71: {  	s0 =	simm.s32 @p0 $0x3  }
0x72: {  	_ =	swait.ge @p0 [sflag:s0], $0x1380  }
0x73: {  	[sflag:s0] =	ssyncset.done @p0 $0x0  }
0x74: {  	[sflag:s0] =	ssyncadd.s32 @p0 $0xFFFFEC80;
	s0 =	simm.s32 @!p0 $0x3  }
0x75: {  	[hbm:s14], [sflag:s19] =	dma.local @!p0 [spmem:s21], $0x80  }
0x76: {  	_ =	swait.ge @!p0 [sflag:s0], $0x80  }
0x77: {  	[sflag:s0] =	ssyncset.done @!p0 $0x0  }
0x78: {  	[sflag:s0] =	ssyncadd.s32 @!p0 $0xFFFFFF80  }
0x79: {  	s2 =	sshrl.u32 @!p0 s8, $0x3;
	[bflag:$0x0] =	sbarrier.arrive @!p0 $0xFFFF  }
0x7a: {  	[spmem:s2], [sflag:s19] =	dma.local @!p0 [hbm:s9], $0x1380  }
0x7b: {  	_ =	swait.ge @!p0 [sflag:s0], $0x1380  }
0x7c: {  	[sflag:s0] =	ssyncset.done @!p0 $0x0  }
0x7d: {  	[sflag:s0] =	ssyncadd.s32 @!p0 $0xFFFFEC80  }
0x7e: {  	[spmem:s21], [sflag:s19] =	dma.local @!p0 [hbm:s12], $0x80  }
0x7f: {  	_ =	swait.ge @!p0 [sflag:s0], $0x80  }
0x80: {  	[sflag:s0] =	ssyncset.done @!p0 $0x0  }
0x81: {  	[sflag:s0] =	ssyncadd.s32 @!p0 $0xFFFFFF80  }
0x82: {  	s18 =	simm.s32 $0x0;
	[bflag:$0x0] =	sbarrier.arrive $0xFFFF  }
0x83: {  	[tilespmem:s23], [sflag:$0x1] =	stream.indirect.gather [hbm4b:s5+s22], $0x40, s18, s22, $0xb8;
	[tilespmem:$0x12C40] =	vst v63  }
0x84: {  	s2 =	simm.s32 $0x80  }
0x85: {  	[tilespmem:s24], [sflag:$0x2] =	stream.indirect.gather [hbm4b:s5+s22], $0x40, s2, s22, $0xb8;
	[tilespmem:$0x12C40] =	vst v63  }
0x86: {  	_ =	swait.ge [sflag:s25], $0x2000  }
0x87: {  	[sflag:s25] =	ssyncset.done $0x0  }
0x88: {  	s6 =	simm.s32 $0x2800;
	[sflag:s25] =	ssyncadd.s32 $0xFFFFE000  }
0x89: {  	[spmem:s1] =	stream.indirect.scatter.add.f32 [tilespmem:s23], [sflag:$0x3], $0x40, s6, s22, $0xb8;
	[tilespmem:$0x12C40] =	vst v63  }
0x8a: {  	_ =	swait.ge [sflag:s17], $0x2000  }
0x8b: {  	[sflag:s17] =	ssyncset.done $0x0  }
0x8c: {  	s7 =	simm.s32 $0x100;
	[sflag:s17] =	ssyncadd.s32 $0xFFFFE000  }
0x8d: {  	[tilespmem:s23], [sflag:$0x1] =	stream.indirect.gather [hbm4b:s5+s22], $0x40, s7, s22, $0xb8;
	[tilespmem:$0x12C40] =	vst v63  }
0x8e: {  	_ =	swait.ge [sflag:s26], $0x2000  }
0x8f: {  	[sflag:s26] =	ssyncset.done $0x0  }
0x90: {  	s18 =	simm.s32 $0x2880;
	[sflag:s26] =	ssyncadd.s32 $0xFFFFE000  }
0x91: {  	[spmem:s1] =	stream.indirect.scatter.add.f32 [tilespmem:s24], [sflag:$0x3], $0x40, s18, s22, $0xb8;
	[tilespmem:$0x12C40] =	vst v63  }
0x92: {  	_ =	swait.ge [sflag:s17], $0x2000  }
0x93: {  	s0 =	simm.s32 $0x100;
	s2 =	simm.s32 $0x800;
	[sflag:s17] =	ssyncset.done $0x0  }
.LBB2_4:
0x94: {  	s6 =	sadd.s32 $0x80, s0  }
0x95: {  	[sflag:s17] =	ssyncadd.s32 $0xFFFFE000;
	s7 =	smov.u32 s2;
	s18 =	sadd.s32 $0x400, s2  }
0x96: {  	[tilespmem:s24], [sflag:$0x2] =	stream.indirect.gather [hbm4b:s5+s22], $0x40, s6, s22, $0xb8;
	[tilespmem:$0x12C40] =	vst v63  }
0x97: {  	p1 =	sne.s32 s2, $0x9800;
	_ =	swait.ge [sflag:s25], $0x2000  }
0x98: {  	[sflag:s25] =	ssyncset.done $0x0  }
0x99: {  	s2 =	sadd.s32 $0x2800, s0;
	[sflag:s25] =	ssyncadd.s32 $0xFFFFE000  }
0x9a: {  	[spmem:s1] =	stream.indirect.scatter.add.f32 [tilespmem:s23], [sflag:$0x3], $0x40, s2, s22, $0xb8;
	[tilespmem:$0x12C40] =	vst v63  }
0x9b: {  	_ =	swait.ge [sflag:s17], $0x2000  }
0x9c: {  	[sflag:s17] =	ssyncset.done $0x0  }
0x9d: {  	s2 =	sadd.s32 $0x100, s0;
	[sflag:s17] =	ssyncadd.s32 $0xFFFFE000  }
0x9e: {  	[tilespmem:s23], [sflag:$0x1] =	stream.indirect.gather [hbm4b:s5+s22], $0x40, s2, s22, $0xb8;
	[tilespmem:$0x12C40] =	vst v63  }
0x9f: {  	_ =	swait.ge [sflag:s26], $0x2000  }
.Ltmp1:
0xa0: {  	[sflag:s26] =	ssyncset.done $0x0;
	(pc) =	sbr.rel @p1 .LBB2_4-.Ltmp1, $4  }
0xa1: {  	s0 =	sadd.s32 $0x2880, s0;
	[sflag:s26] =	ssyncadd.s32 $0xFFFFE000  }
0xa2: {  	[spmem:s1] =	stream.indirect.scatter.add.f32 [tilespmem:s24], [sflag:$0x3], $0x40, s0, s22, $0xb8;
	[tilespmem:$0x12C40] =	vst v63  }
0xa3: {  	_ =	swait.ge [sflag:s17], $0x2000  }
0xa4: {  	s2 =	smov.u32 s18;
	s0 =	sshra.s32 s7, $0x2;
	[sflag:s17] =	ssyncset.done $0x0  }
0xa5: {  	s2 =	sadd.s32 $0x80, s0;
	[sflag:s17] =	ssyncadd.s32 $0xFFFFE000  }
0xa6: {  	[tilespmem:s24], [sflag:$0x2] =	stream.indirect.gather [hbm4b:s5+s22], $0x40, s2, s22, $0xb8;
	[tilespmem:$0x12C40] =	vst v63  }
0xa7: {  	_ =	swait.ge [sflag:s25], $0x2000  }
0xa8: {  	[sflag:s25] =	ssyncset.done $0x0  }
0xa9: {  	s18 =	sadd.s32 $0x2800, s0;
	[sflag:s25] =	ssyncadd.s32 $0xFFFFE000  }
0xaa: {  	[spmem:s1] =	stream.indirect.scatter.add.f32 [tilespmem:s23], [sflag:$0x3], $0x40, s18, s22, $0xb8;
	[tilespmem:$0x12C40] =	vst v63  }
0xab: {  	_ =	swait.ge [sflag:s17], $0x2000  }
0xac: {  	[sflag:s17] =	ssyncset.done $0x0  }
0xad: {  	s6 =	sadd.s32 $0x100, s0;
	[sflag:s17] =	ssyncadd.s32 $0xFFFFE000  }
0xae: {  	[tilespmem:s23], [sflag:$0x1] =	stream.indirect.gather [hbm4b:s5+s22], $0x40, s6, s22, $0xb8;
	[tilespmem:$0x12C40] =	vst v63  }
0xaf: {  	_ =	swait.ge [sflag:s26], $0x2000  }
0xb0: {  	[sflag:s26] =	ssyncset.done $0x0  }
0xb1: {  	s7 =	sadd.s32 $0x2880, s0;
	[sflag:s26] =	ssyncadd.s32 $0xFFFFE000  }
0xb2: {  	[spmem:s1] =	stream.indirect.scatter.add.f32 [tilespmem:s24], [sflag:$0x3], $0x40, s7, s22, $0xb8;
	[tilespmem:$0x12C40] =	vst v63  }
0xb3: {  	_ =	swait.ge [sflag:s17], $0x2000  }
0xb4: {  	[sflag:s17] =	ssyncset.done $0x0  }
0xb5: {  	[sflag:s17] =	ssyncadd.s32 $0xFFFFE000  }
0xb6: {  	[tilespmem:s24], [sflag:$0x2] =	stream.indirect.gather [hbm4b:s5+s22], $0x40, s28, s22, $0xb8;
	[tilespmem:$0x12C40] =	vst v63  }
0xb7: {  	_ =	swait.ge [sflag:s25], $0x2000  }
0xb8: {  	[sflag:s25] =	ssyncset.done $0x0  }
0xb9: {  	[sflag:s25] =	ssyncadd.s32 $0xFFFFE000  }
0xba: {  	[spmem:s1] =	stream.indirect.scatter.add.f32 [tilespmem:s23], [sflag:$0x3], $0x40, s29, s22, $0xb8;
	[tilespmem:$0x12C40] =	vst v63  }
0xbb: {  	_ =	swait.ge [sflag:s17], $0x2000  }
0xbc: {  	[sflag:s17] =	ssyncset.done $0x0  }
0xbd: {  	[sflag:s17] =	ssyncadd.s32 $0xFFFFE000  }
0xbe: {  	_ =	swait.ge [sflag:s26], $0x2000  }
0xbf: {  	[sflag:s26] =	ssyncset.done $0x0  }
0xc0: {  	[sflag:s26] =	ssyncadd.s32 $0xFFFFE000  }
0xc1: {  	[spmem:s1] =	stream.indirect.scatter.add.f32 [tilespmem:s24], [sflag:$0x3], $0x40, s30, s22, $0xb8;
	[tilespmem:$0x12C40] =	vst v63  }
0xc2: {  	_ =	swait.ge [sflag:s17], $0x2000  }
0xc3: {  	[sflag:s17] =	ssyncset.done $0x0  }
0xc4: {  	[sflag:s17] =	ssyncadd.s32 $0xFFFFE000  }
0xc5: {  	s18 =	sadd.s32 s10, s15;
	[bflag:$0x0] =	sbarrier.arrive $0xFFFF  }
0xc6: {  	[hbm:s18], [sflag:s19] =	dma.local [spmem:s20], $0x1380  }
0xc7: {  	_ =	swait.ge [sflag:s17], $0x1380  }
0xc8: {  	[sflag:s17] =	ssyncset.done $0x0  }
0xc9: {  	s0 =	sadd.s32 @!p0 s11, s15;
	s31 =	sadd.s32 $0x1, s31;
	[sflag:s17] =	ssyncadd.s32 $0xFFFFEC80  }
0xca: {  	[hbm:s0], [sflag:s19] =	dma.local @!p0 [spmem:s21], $0x80  }
0xcb: {  	p1 =	sne.s32 s31, s16;
	s0 =	simm.s32 @!p0 $0x3  }
.Ltmp2:
0xcc: {  	_ =	swait.ge @!p0 [sflag:s0], $0x80;
	(pc) =	sbr.rel @p1 .LBB2_1-.Ltmp2, $3  }
0xcd: {  	[sflag:s0] =	ssyncset.done @!p0 $0x0  }
0xce: {  	[sflag:s0] =	ssyncadd.s32 @!p0 $0xFFFFFF80  }
0xcf: {  	[bflag:$0x0] =	sbarrier.arrive $0xFFFF;
	_ =	sdelay $0x1  }
0xd0: {  	_ =	sfence.sel $0x180000  }
0xd1: {  	[bflag:$0x0] =	sbarrier.arrive $0xFFFF  }
0xd2: {  	_ =	strace $0x90000047  }
0xd3: {  	s0 =	stileid.u32;
	[bflag:$0x2] =	sbarrier.arrive $0xFFFF  }
0xd4: {  	p0 =	sne.s32 s0, $0x0;
	s0 =	rddreg [dreg:$0x5]  }
0xd5: {  	s0 =	sadd.s32 @!p0 $0x100000, s0  }
0xd6: {  	[sflag:s0] =	ssyncadd.tile.s32 @!p0 $0x1;
	_ =	shalt  }
.Lfunc_end2:
_tile_overlayer_lowered:
.L_overlay_start_2:
0xd7: {  	(tag) =	ssettag $0x2  }
0xd8: {  	s0 =	rddreg [dreg:$0x0];
	s2 =	stileid.u32  }
0xd9: {  	s1 =	rddreg [dreg:$0x1];
	p0 =	sne.s32 s2, $0x0  }
0xda: {  	s3 =	rddreg [dreg:$0x2];
	[bflag:$0x3] =	sbarrier.arrive $0xFFFF;
	s2 =	simm.s32 @!p0 $0x1C03  }
0xdb: {  	[timem:s3], [sflag:s2] =	dma.local @!p0 [hbm:s0], s1  }
0xdc: {  	s0 =	simm.s32 @!p0 $0x3  }
0xdd: {  	_ =	swait.ge @!p0 [sflag:s0], s1  }
0xde: {  	s1 =	ssub.s32 @!p0 $0x0, s1;
	[sflag:s0] =	ssyncset.done @!p0 $0x0  }
0xdf: {  	[sflag:s0] =	ssyncadd.s32 @!p0 s1  }
0xe0: {  	[bflag:$0x3] =	sbarrier.arrive $0xFFFF  }
0xe1: {  	_ =	shalt  }

</sc_bundles>
